<compile_context>
chip_gen: v7x
topology: tpu7x:2x2x1
jax: 0.10.2.dev20260603
libtpu: 0.0.44.dev20260713+nightly
codegen_flags: <defaults>
</compile_context>

<pallas_src>
import functools

import jax
import jax.numpy as jnp
from jax import lax
from jax.experimental import pallas as pl
from jax.experimental.pallas import tpu as pltpu
from jax.experimental.pallas import tpu_sc as plsc

B, S, T, M = 32, 512, 2048, 80
NB_SC = 4
B_TC = B - NB_SC
BB = 4
NW = 32
UNITS = NB_SC * 10


def _tc_body(mt_ref, mp_ref, pmp_ref, mw_ref,
             pt_ref, pp_ref, et_ref, ep_ref,
             ldp_ref, dt_ref, pst_ref, psp_ref, sw_ref,
             out_ref, acc1_ref, acc2_ref, sacc_ref):
    i = pl.program_id(0)

    @pl.when(i == 0)
    def _small():
        sw = sw_ref[...]
        n_src = jnp.sum(sw)
        s_pitch = jnp.sum((pp_ref[...] - pt_ref[...]) ** 2 * sw)
        s_energy = jnp.sum((ep_ref[...] - et_ref[...]) ** 2 * sw)
        ldt = jnp.log(dt_ref[...].astype(jnp.float32) + 1.0)
        s_dur = jnp.sum((ldp_ref[...] - ldt) ** 2 * sw)
        psp = psp_ref[...]
        pst = pst_ref[...]
        d = psp - pst
        s_mid = jnp.sum(d * d)
        cond = jnp.logical_and((0.0 * psp) > (psp - 0.5), pst != 0.0)
        s_pen = jnp.sum(cond.astype(jnp.float32))
        sacc_ref[0] = s_pitch
        sacc_ref[1] = s_energy
        sacc_ref[2] = s_dur
        sacc_ref[3] = n_src
        sacc_ref[4] = s_mid
        sacc_ref[5] = s_pen
        sacc_ref[6] = jnp.sum(mw_ref[...].astype(jnp.float32))
        acc1_ref[...] = jnp.zeros_like(acc1_ref)
        acc2_ref[...] = jnp.zeros_like(acc2_ref)

    for j in range(BB):
        onehot = (jax.lax.broadcasted_iota(jnp.int32, (1, B), 1) == i * BB + j
                  ).astype(jnp.bfloat16)
        w2 = jax.lax.dot_general(
            onehot, mw_ref[...], (((1,), (0,)), ((), ())),
            preferred_element_type=jnp.float32)
        mt = mt_ref[j]
        cs1 = jnp.sum(jnp.abs(mp_ref[j] - mt), axis=0, keepdims=True)
        cs2 = jnp.sum(jnp.abs(pmp_ref[j] - mt), axis=0, keepdims=True)
        acc1_ref[...] += cs1 * w2
        acc2_ref[...] += cs2 * w2

    @pl.when(i == B_TC // BB - 1)
    def _final():
        n_src = sacc_ref[3]
        pause_loss = (sacc_ref[4] / (B * S) + 100.0 * 0.5 * sacc_ref[5] / B) / S
        out_ref[0] = jnp.sum(acc1_ref[...])
        out_ref[1] = jnp.sum(acc2_ref[...])
        out_ref[2] = sacc_ref[6] * M
        out_ref[3] = sacc_ref[0] / n_src
        out_ref[4] = sacc_ref[1] / n_src
        out_ref[5] = sacc_ref[2] / n_src
        out_ref[6] = pause_loss * 0.7


def _sc_body(mt_hbm, mp_hbm, pmp_hbm, wx_hbm, out_hbm,
             t_v, p_v, q_v, w_v, o_v, sem):
    wid = lax.axis_index("s") * 2 + lax.axis_index("c")
    acc1 = jnp.zeros((16,), jnp.float32)
    acc2 = jnp.zeros((16,), jnp.float32)
    for rep in range(2):
        u = wid + rep * NW

        @pl.when(u < UNITS)
        def _unit():
            b = B_TC + u // 10
            mi = (u % 10) * 8
            cps = [pltpu.async_copy(mt_hbm.at[b, pl.ds(mi, 8), :], t_v, sem),
                   pltpu.async_copy(mp_hbm.at[b, pl.ds(mi, 8), :], p_v, sem),
                   pltpu.async_copy(pmp_hbm.at[b, pl.ds(mi, 8), :], q_v, sem),
                   pltpu.async_copy(wx_hbm.at[b - B_TC, pl.ds(mi, 8), :], w_v, sem)]
            for cp in cps:
                cp.wait()

        for r in range(8):
            def _col(c, accs):
                a1, a2 = accs
                sl = pl.ds(c * 16, 16)
                mt = t_v[r, sl]
                w = w_v[r, sl]
                a1 = a1 + w * jnp.abs(p_v[r, sl] - mt)
                a2 = a2 + w * jnp.abs(q_v[r, sl] - mt)
                return (a1, a2)
            zero16 = jnp.zeros((16,), jnp.float32)
            p1, p2 = lax.fori_loop(0, 128, _col, (zero16, zero16))
            valid = (u < UNITS).astype(jnp.float32)
            acc1 = acc1 + p1 * valid
            acc2 = acc2 + p2 * valid

    o_v[...] = acc1
    pltpu.sync_copy(o_v, out_hbm.at[0, wid])
    o_v[...] = acc2
    pltpu.sync_copy(o_v, out_hbm.at[1, wid])


def _sc_partial(mt_sc, mp_sc, pmp_sc, wexp):
    mesh = plsc.VectorSubcoreMesh(core_axis_name="c", subcore_axis_name="s")
    f = functools.partial(
        pl.kernel, mesh=mesh,
        out_type=jax.ShapeDtypeStruct((2, NW, 16), jnp.float32),
        scratch_types=[pltpu.VMEM((8, T), jnp.float32),
                       pltpu.VMEM((8, T), jnp.float32),
                       pltpu.VMEM((8, T), jnp.float32),
                       pltpu.VMEM((8, T), jnp.float32),
                       pltpu.VMEM((16,), jnp.float32),
                       pltpu.SemaphoreType.DMA],
    )(_sc_body)
    return f(mt_sc, mp_sc, pmp_sc, wexp)


def kernel(mel_targets, pitch_targets, energy_targets, pause_targets,
           mel_predictions, postnet_mel_predictions, pitch_predictions,
           energy_predictions, log_duration_predictions, pause_predictions,
           duration_targets, src_masks, mel_masks):
    mt3 = jnp.transpose(mel_targets, (0, 2, 1))
    mp3 = jnp.transpose(mel_predictions, (0, 2, 1))
    pmp3 = jnp.transpose(postnet_mel_predictions, (0, 2, 1))
    mw = jnp.logical_not(mel_masks).astype(jnp.bfloat16)
    sw = jnp.logical_not(src_masks).astype(jnp.float32)
    wexp = jnp.broadcast_to(
        jnp.logical_not(mel_masks[B_TC:, None, :]).astype(jnp.float32),
        (NB_SC, M, T))

    sc_out = _sc_partial(mt3, mp3, pmp3, wexp)

    mel_spec = pl.BlockSpec((BB, M, T), lambda i: (i, 0, 0))
    full2d = pl.BlockSpec((B, T), lambda i: (0, 0))
    small_spec = pl.BlockSpec((B, S), lambda i: (0, 0))

    out = pl.pallas_call(
        _tc_body,
        grid=(B_TC // BB,),
        in_specs=[mel_spec, mel_spec, mel_spec, full2d] + [small_spec] * 9,
        out_specs=pl.BlockSpec(memory_space=pltpu.SMEM),
        out_shape=jax.ShapeDtypeStruct((8,), jnp.float32),
        scratch_shapes=[pltpu.VMEM((1, T), jnp.float32),
                        pltpu.VMEM((1, T), jnp.float32),
                        pltpu.SMEM((8,), jnp.float32)],
    )(mt3, mp3, pmp3, mw,
      pitch_targets, pitch_predictions,
      energy_targets, energy_predictions,
      log_duration_predictions, duration_targets,
      pause_targets, pause_predictions, sw)

    sc_sums = jnp.sum(sc_out, axis=(1, 2))
    mel_loss = (out[0] + sc_sums[0]) / out[2]
    postnet_loss = (out[1] + sc_sums[1]) / out[2]
    pitch_loss = out[3]
    energy_loss = out[4]
    dur_loss = out[5]
    pause_w = out[6]
    total = (mel_loss + postnet_loss + dur_loss + pitch_loss +
             energy_loss + pause_w)
    return (total, mel_loss, postnet_loss, pitch_loss, energy_loss,
            dur_loss, pause_w)

# --- scband reference (transcript-rebuilt; emitter-appended) ---
"""Pipeline reference for scband-fast-speech2-loss-17849884082420 (READ-ONLY COPY).

The authoritative reference and input builder live on the scoring server;
editing this copy changes nothing except your own understanding.
"""

import jax, jax.numpy as jnp
import numpy as np

B, S, T, M = 32, 512, 2048, 80


def setup_inputs(seed: int = 0):
    key = jax.random.key(seed)
    ks = jax.random.split(key, 13)
    return {
        "mel_targets": jax.random.normal(ks[0], (B, T, M), dtype=jnp.float32),
        "pitch_targets": jax.random.normal(ks[1], (B, S), dtype=jnp.float32),
        "energy_targets": jax.random.normal(ks[2], (B, S), dtype=jnp.float32),
        "pause_targets": jax.random.normal(ks[3], (B, S), dtype=jnp.float32),
        "mel_predictions": jax.random.normal(ks[4], (B, T, M), dtype=jnp.float32),
        "postnet_mel_predictions": jax.random.normal(ks[5], (B, T, M), dtype=jnp.float32),
        "pitch_predictions": jax.random.normal(ks[6], (B, S), dtype=jnp.float32),
        "energy_predictions": jax.random.normal(ks[7], (B, S), dtype=jnp.float32),
        "log_duration_predictions": jax.random.normal(ks[8], (B, S), dtype=jnp.float32),
        "pause_predictions": jax.random.normal(ks[9], (B, S), dtype=jnp.float32),
        "duration_targets": jax.random.randint(ks[10], (B, S), 0, 20),
        "src_masks": jax.random.randint(ks[11], (B, S), 0, 2) == 1,
        "mel_masks": jax.random.randint(ks[12], (B, T), 0, 2) == 1,
    }


def _masked_mean(vals, mask):
    # equivalent to torch masked_select(...).mean(): sum over valid / count of valid
    mask_f = mask.astype(vals.dtype)
    return jnp.sum(vals * mask_f) / jnp.sum(mask_f)


def reference(mel_targets, pitch_targets, energy_targets, pause_targets,
              mel_predictions, postnet_mel_predictions, pitch_predictions,
              energy_predictions, log_duration_predictions, pause_predictions,
              duration_targets, src_masks, mel_masks):
    src_m = jnp.logical_not(src_masks)   # True = valid position
    mel_m = jnp.logical_not(mel_masks)
    log_duration_targets = jnp.log(duration_targets.astype(jnp.float32) + 1.0)

    mel_m3 = jnp.broadcast_to(mel_m[:, :, None], mel_predictions.shape)

    # MAE over masked mel frames (pitch/energy configured at phoneme_level -> src mask)
    mel_loss = _masked_mean(jnp.abs(mel_predictions - mel_targets), mel_m3)
    postnet_mel_loss = _masked_mean(jnp.abs(postnet_mel_predictions - mel_targets), mel_m3)
    pitch_loss = _masked_mean((pitch_predictions - pitch_targets) ** 2, src_m)
    energy_loss = _masked_mean((energy_predictions - energy_targets) ** 2, src_m)
    duration_loss = _masked_mean((log_duration_predictions - log_duration_targets) ** 2, src_m)

    # pause loss (StepLoss-style middle term + SparseLoss penalty)
    diff = pause_predictions - pause_targets
    pause_loss_middle = diff * diff
    # SparseLoss: pm * (pw * logical_and(0*x > x - pm, tar != 0)), pm=0.5, pw=1
    cond = jnp.logical_and((0.0 * pause_predictions) > (pause_predictions - 0.5),
                           jnp.logical_not(pause_targets == 0.0))
    res = 0.5 * (1.0 * cond.astype(jnp.float32))  # [B, S]
    penalty = jnp.sum(res, axis=0) / res.shape[0]  # python sum over dim0 / B -> [S]

    Bn = pause_loss_middle.shape[0]
    Sn = pause_loss_middle.shape[1]
    pause_loss = (jnp.sum(pause_loss_middle) / (Bn * Sn) + 100.0 * jnp.sum(penalty)) / Sn
    pause_weight = 0.7

    total_loss = (mel_loss + postnet_mel_loss + duration_loss + pitch_loss +
                  energy_loss + pause_loss * pause_weight)
    return (total_loss, mel_loss, postnet_mel_loss, pitch_loss, energy_loss,
            duration_loss, pause_loss * pause_weight)

if __name__ == "__main__":
    import jax
    _d = setup_inputs()
    print(jax.jit(kernel)(*tuple(_d.values())))

</pallas_src>

<mosaic_0001>
#map = affine_map<(d0, d1) -> (0, 0, 0)>
module attributes {stable_mosaic.version = 14 : i64} {
  func.func @_sc_body(%arg0: i32, %arg1: i32, %arg2: memref<32x80x2048xf32, #tpu.memory_space<hbm>>, %arg3: memref<32x80x2048xf32, #tpu.memory_space<hbm>>, %arg4: memref<32x80x2048xf32, #tpu.memory_space<hbm>>, %arg5: memref<4x80x2048xf32, #tpu.memory_space<hbm>>, %arg6: memref<2x32x16xf32, #tpu.memory_space<hbm>>, %arg7: memref<8x2048xf32, #tpu.memory_space<vmem>>, %arg8: memref<8x2048xf32, #tpu.memory_space<vmem>>, %arg9: memref<8x2048xf32, #tpu.memory_space<vmem>>, %arg10: memref<8x2048xf32, #tpu.memory_space<vmem>>, %arg11: memref<16xf32, #tpu.memory_space<vmem>>, %arg12: memref<!tpu.dma_semaphore, #tpu.memory_space<semaphore_mem>>) attributes {dimension_semantics = [#tpu.dimension_semantics<core_parallel>, #tpu.dimension_semantics<subcore_parallel>], iteration_bounds = array<i64: 2, 16>, scalar_prefetch = 0 : i64, scratch_operands = 6 : i64, tpu.core_type = #tpu.core_type<sc_vector_subcore>, window_params = [{transform_indices = #map}, {transform_indices = #map}, {transform_indices = #map}, {transform_indices = #map}, {transform_indices = #map}]} {
    %mul3A = arith.constant 2 : i32
    %mul3A_0 = arith.muli %arg1, %mul3A : i32
    %add3A = arith.addi %mul3A_0, %arg0 : i32
    %broadcast_in_dim3A = arith.constant 0.000000e+00 : f32
    %broadcast_in_dim3A_1 = vector.broadcast %broadcast_in_dim3A : f32 to vector<16xf32>
    %broadcast_in_dim3A_2 = arith.constant 0.000000e+00 : f32
    %broadcast_in_dim3A_3 = vector.broadcast %broadcast_in_dim3A_2 : f32 to vector<16xf32>
    %add3A_4 = arith.constant 0 : i32
    %add3A_5 = arith.addi %add3A, %add3A_4 : i32
    %lt3A = arith.constant 40 : i32
    %lt3A_6 = arith.cmpi slt, %add3A_5, %lt3A : i32
    %convert_element_type3A = arith.extui %lt3A_6 : i1 to i32
    %cond3A = arith.constant 0 : i32
    %cond3A_7 = arith.cmpi ne, %convert_element_type3A, %cond3A : i32
    scf.if %cond3A_7 {
      %jit3A = arith.constant 10 : i32
      %div3A = arith.divsi %add3A_5, %jit3A : i32
      %sign3A = arith.constant 0 : i32
      %sign3A_310 = arith.cmpi sgt, %add3A_5, %sign3A : i32
      %sign3A_311 = arith.extui %sign3A_310 : i1 to i32
      %sign3A_312 = arith.constant 0 : i32
      %sign3A_313 = arith.cmpi slt, %add3A_5, %sign3A_312 : i32
      %sign3A_314 = arith.extui %sign3A_313 : i1 to i32
      %sign3A_315 = arith.subi %sign3A_311, %sign3A_314 : i32
      %sign3A_316 = arith.constant 0 : i32
      %sign3A_317 = arith.cmpi sgt, %jit3A, %sign3A_316 : i32
      %sign3A_318 = arith.extui %sign3A_317 : i1 to i32
      %sign3A_319 = arith.constant 0 : i32
      %sign3A_320 = arith.cmpi slt, %jit3A, %sign3A_319 : i32
      %sign3A_321 = arith.extui %sign3A_320 : i1 to i32
      %sign3A_322 = arith.subi %sign3A_318, %sign3A_321 : i32
      %ne3A = arith.cmpi ne, %sign3A_315, %sign3A_322 : i32
      %rem3A = arith.remsi %add3A_5, %jit3A : i32
      %ne3A_323 = arith.constant 0 : i32
      %ne3A_324 = arith.cmpi ne, %rem3A, %ne3A_323 : i32
      %and3A = arith.andi %ne3A, %ne3A_324 : i1
      %sub3A = arith.constant 1 : i32
      %sub3A_325 = arith.subi %div3A, %sub3A : i32
      %select_n3A = arith.select %and3A, %sub3A_325, %div3A : i32
      %add3A_326 = arith.constant 28 : i32
      %add3A_327 = arith.addi %add3A_326, %select_n3A : i32
      %jit3A_328 = arith.constant 10 : i32
      %eq3A = arith.constant 0 : i32
      %eq3A_329 = arith.cmpi eq, %jit3A_328, %eq3A : i32
      %jit3A_330 = arith.constant 1 : i32
      %select_n3A_331 = arith.select %eq3A_329, %jit3A_330, %jit3A_328 : i32
      %rem3A_332 = arith.remsi %add3A_5, %select_n3A_331 : i32
      %ne3A_333 = arith.constant 0 : i32
      %ne3A_334 = arith.cmpi ne, %rem3A_332, %ne3A_333 : i32
      %lt3A_335 = arith.constant 0 : i32
      %lt3A_336 = arith.cmpi slt, %rem3A_332, %lt3A_335 : i32
      %lt3A_337 = arith.constant 0 : i32
      %lt3A_338 = arith.cmpi slt, %select_n3A_331, %lt3A_337 : i32
      %ne3A_339 = arith.xori %lt3A_336, %lt3A_338 : i1
      %and3A_340 = arith.andi %ne3A_339, %ne3A_334 : i1
      %add3A_341 = arith.addi %rem3A_332, %select_n3A_331 : i32
      %select_n3A_342 = arith.select %and3A_340, %add3A_341, %rem3A_332 : i32
      %mul3A_343 = arith.constant 8 : i32
      %mul3A_344 = arith.muli %select_n3A_342, %mul3A_343 : i32
      %dma_start3A = arith.constant 0 : i32
      %dma_start3A_345 = tpu.memref_slice %arg2[%add3A_327, %mul3A_344, %dma_start3A] : memref<32x80x2048xf32, #tpu.memory_space<hbm>> -> memref<1x8x2048xf32, #tpu.memory_space<hbm>>
      %dma_start3A_346 = tpu.memref_squeeze %dma_start3A_345 : memref<1x8x2048xf32, #tpu.memory_space<hbm>> -> memref<8x2048xf32, #tpu.memory_space<hbm>>
      %dma_start3A_347 = arith.constant 0 : i32
      %dma_start3A_348 = tpu.memref_slice %arg2[%add3A_327, %mul3A_344, %dma_start3A_347] : memref<32x80x2048xf32, #tpu.memory_space<hbm>> -> memref<1x8x2048xf32, #tpu.memory_space<hbm>>
      %dma_start3A_349 = tpu.memref_squeeze %dma_start3A_348 : memref<1x8x2048xf32, #tpu.memory_space<hbm>> -> memref<8x2048xf32, #tpu.memory_space<hbm>>
      tpu.enqueue_dma source(%dma_start3A_349 : memref<8x2048xf32, #tpu.memory_space<hbm>>) target(%arg7 : memref<8x2048xf32, #tpu.memory_space<vmem>>) target_semaphore(%arg12 : memref<!tpu.dma_semaphore, #tpu.memory_space<semaphore_mem>>)
      %dma_start3A_350 = arith.constant 0 : i32
      %dma_start3A_351 = tpu.memref_slice %arg3[%add3A_327, %mul3A_344, %dma_start3A_350] : memref<32x80x2048xf32, #tpu.memory_space<hbm>> -> memref<1x8x2048xf32, #tpu.memory_space<hbm>>
      %dma_start3A_352 = tpu.memref_squeeze %dma_start3A_351 : memref<1x8x2048xf32, #tpu.memory_space<hbm>> -> memref<8x2048xf32, #tpu.memory_space<hbm>>
      %dma_start3A_353 = arith.constant 0 : i32
      %dma_start3A_354 = tpu.memref_slice %arg3[%add3A_327, %mul3A_344, %dma_start3A_353] : memref<32x80x2048xf32, #tpu.memory_space<hbm>> -> memref<1x8x2048xf32, #tpu.memory_space<hbm>>
      %dma_start3A_355 = tpu.memref_squeeze %dma_start3A_354 : memref<1x8x2048xf32, #tpu.memory_space<hbm>> -> memref<8x2048xf32, #tpu.memory_space<hbm>>
      tpu.enqueue_dma source(%dma_start3A_355 : memref<8x2048xf32, #tpu.memory_space<hbm>>) target(%arg8 : memref<8x2048xf32, #tpu.memory_space<vmem>>) target_semaphore(%arg12 : memref<!tpu.dma_semaphore, #tpu.memory_space<semaphore_mem>>)
      %dma_start3A_356 = arith.constant 0 : i32
      %dma_start3A_357 = tpu.memref_slice %arg4[%add3A_327, %mul3A_344, %dma_start3A_356] : memref<32x80x2048xf32, #tpu.memory_space<hbm>> -> memref<1x8x2048xf32, #tpu.memory_space<hbm>>
      %dma_start3A_358 = tpu.memref_squeeze %dma_start3A_357 : memref<1x8x2048xf32, #tpu.memory_space<hbm>> -> memref<8x2048xf32, #tpu.memory_space<hbm>>
      %dma_start3A_359 = arith.constant 0 : i32
      %dma_start3A_360 = tpu.memref_slice %arg4[%add3A_327, %mul3A_344, %dma_start3A_359] : memref<32x80x2048xf32, #tpu.memory_space<hbm>> -> memref<1x8x2048xf32, #tpu.memory_space<hbm>>
      %dma_start3A_361 = tpu.memref_squeeze %dma_start3A_360 : memref<1x8x2048xf32, #tpu.memory_space<hbm>> -> memref<8x2048xf32, #tpu.memory_space<hbm>>
      tpu.enqueue_dma source(%dma_start3A_361 : memref<8x2048xf32, #tpu.memory_space<hbm>>) target(%arg9 : memref<8x2048xf32, #tpu.memory_space<vmem>>) target_semaphore(%arg12 : memref<!tpu.dma_semaphore, #tpu.memory_space<semaphore_mem>>)
      %sub3A_362 = arith.constant 28 : i32
      %sub3A_363 = arith.subi %add3A_327, %sub3A_362 : i32
      %dma_start3A_364 = arith.constant 0 : i32
      %dma_start3A_365 = tpu.memref_slice %arg5[%sub3A_363, %mul3A_344, %dma_start3A_364] : memref<4x80x2048xf32, #tpu.memory_space<hbm>> -> memref<1x8x2048xf32, #tpu.memory_space<hbm>>
      %dma_start3A_366 = tpu.memref_squeeze %dma_start3A_365 : memref<1x8x2048xf32, #tpu.memory_space<hbm>> -> memref<8x2048xf32, #tpu.memory_space<hbm>>
      %dma_start3A_367 = arith.constant 0 : i32
      %dma_start3A_368 = tpu.memref_slice %arg5[%sub3A_363, %mul3A_344, %dma_start3A_367] : memref<4x80x2048xf32, #tpu.memory_space<hbm>> -> memref<1x8x2048xf32, #tpu.memory_space<hbm>>
      %dma_start3A_369 = tpu.memref_squeeze %dma_start3A_368 : memref<1x8x2048xf32, #tpu.memory_space<hbm>> -> memref<8x2048xf32, #tpu.memory_space<hbm>>
      tpu.enqueue_dma source(%dma_start3A_369 : memref<8x2048xf32, #tpu.memory_space<hbm>>) target(%arg10 : memref<8x2048xf32, #tpu.memory_space<vmem>>) target_semaphore(%arg12 : memref<!tpu.dma_semaphore, #tpu.memory_space<semaphore_mem>>)
      %dma_wait3A = arith.constant 0 : i32
      %dma_wait3A_370 = tpu.memref_slice %arg2[%add3A_327, %mul3A_344, %dma_wait3A] : memref<32x80x2048xf32, #tpu.memory_space<hbm>> -> memref<1x8x2048xf32, #tpu.memory_space<hbm>>
      %dma_wait3A_371 = tpu.memref_squeeze %dma_wait3A_370 : memref<1x8x2048xf32, #tpu.memory_space<hbm>> -> memref<8x2048xf32, #tpu.memory_space<hbm>>
      %dma_wait3A_372 = arith.constant 0 : i32
      %dma_wait3A_373 = tpu.memref_slice %arg2[%add3A_327, %mul3A_344, %dma_wait3A_372] : memref<32x80x2048xf32, #tpu.memory_space<hbm>> -> memref<1x8x2048xf32, #tpu.memory_space<hbm>>
      %dma_wait3A_374 = tpu.memref_squeeze %dma_wait3A_373 : memref<1x8x2048xf32, #tpu.memory_space<hbm>> -> memref<8x2048xf32, #tpu.memory_space<hbm>>
      tpu.wait_dma2 semaphore(%arg12 : memref<!tpu.dma_semaphore, #tpu.memory_space<semaphore_mem>>) src(%dma_wait3A_374 : memref<8x2048xf32, #tpu.memory_space<hbm>>) dst(%arg7 : memref<8x2048xf32, #tpu.memory_space<vmem>>)
      %dma_wait3A_375 = arith.constant 0 : i32
      %dma_wait3A_376 = tpu.memref_slice %arg3[%add3A_327, %mul3A_344, %dma_wait3A_375] : memref<32x80x2048xf32, #tpu.memory_space<hbm>> -> memref<1x8x2048xf32, #tpu.memory_space<hbm>>
      %dma_wait3A_377 = tpu.memref_squeeze %dma_wait3A_376 : memref<1x8x2048xf32, #tpu.memory_space<hbm>> -> memref<8x2048xf32, #tpu.memory_space<hbm>>
      %dma_wait3A_378 = arith.constant 0 : i32
      %dma_wait3A_379 = tpu.memref_slice %arg3[%add3A_327, %mul3A_344, %dma_wait3A_378] : memref<32x80x2048xf32, #tpu.memory_space<hbm>> -> memref<1x8x2048xf32, #tpu.memory_space<hbm>>
      %dma_wait3A_380 = tpu.memref_squeeze %dma_wait3A_379 : memref<1x8x2048xf32, #tpu.memory_space<hbm>> -> memref<8x2048xf32, #tpu.memory_space<hbm>>
      tpu.wait_dma2 semaphore(%arg12 : memref<!tpu.dma_semaphore, #tpu.memory_space<semaphore_mem>>) src(%dma_wait3A_380 : memref<8x2048xf32, #tpu.memory_space<hbm>>) dst(%arg8 : memref<8x2048xf32, #tpu.memory_space<vmem>>)
      %dma_wait3A_381 = arith.constant 0 : i32
      %dma_wait3A_382 = tpu.memref_slice %arg4[%add3A_327, %mul3A_344, %dma_wait3A_381] : memref<32x80x2048xf32, #tpu.memory_space<hbm>> -> memref<1x8x2048xf32, #tpu.memory_space<hbm>>
      %dma_wait3A_383 = tpu.memref_squeeze %dma_wait3A_382 : memref<1x8x2048xf32, #tpu.memory_space<hbm>> -> memref<8x2048xf32, #tpu.memory_space<hbm>>
      %dma_wait3A_384 = arith.constant 0 : i32
      %dma_wait3A_385 = tpu.memref_slice %arg4[%add3A_327, %mul3A_344, %dma_wait3A_384] : memref<32x80x2048xf32, #tpu.memory_space<hbm>> -> memref<1x8x2048xf32, #tpu.memory_space<hbm>>
      %dma_wait3A_386 = tpu.memref_squeeze %dma_wait3A_385 : memref<1x8x2048xf32, #tpu.memory_space<hbm>> -> memref<8x2048xf32, #tpu.memory_space<hbm>>
      tpu.wait_dma2 semaphore(%arg12 : memref<!tpu.dma_semaphore, #tpu.memory_space<semaphore_mem>>) src(%dma_wait3A_386 : memref<8x2048xf32, #tpu.memory_space<hbm>>) dst(%arg9 : memref<8x2048xf32, #tpu.memory_space<vmem>>)
      %dma_wait3A_387 = arith.constant 0 : i32
      %dma_wait3A_388 = tpu.memref_slice %arg5[%sub3A_363, %mul3A_344, %dma_wait3A_387] : memref<4x80x2048xf32, #tpu.memory_space<hbm>> -> memref<1x8x2048xf32, #tpu.memory_space<hbm>>
      %dma_wait3A_389 = tpu.memref_squeeze %dma_wait3A_388 : memref<1x8x2048xf32, #tpu.memory_space<hbm>> -> memref<8x2048xf32, #tpu.memory_space<hbm>>
      %dma_wait3A_390 = arith.constant 0 : i32
      %dma_wait3A_391 = tpu.memref_slice %arg5[%sub3A_363, %mul3A_344, %dma_wait3A_390] : memref<4x80x2048xf32, #tpu.memory_space<hbm>> -> memref<1x8x2048xf32, #tpu.memory_space<hbm>>
      %dma_wait3A_392 = tpu.memref_squeeze %dma_wait3A_391 : memref<1x8x2048xf32, #tpu.memory_space<hbm>> -> memref<8x2048xf32, #tpu.memory_space<hbm>>
      tpu.wait_dma2 semaphore(%arg12 : memref<!tpu.dma_semaphore, #tpu.memory_space<semaphore_mem>>) src(%dma_wait3A_392 : memref<8x2048xf32, #tpu.memory_space<hbm>>) dst(%arg10 : memref<8x2048xf32, #tpu.memory_space<vmem>>)
    } else {
    }
    %broadcast_in_dim3A_8 = arith.constant 0.000000e+00 : f32
    %broadcast_in_dim3A_9 = vector.broadcast %broadcast_in_dim3A_8 : f32 to vector<16xf32>
    %scan3A = arith.constant 0 : i32
    %scan3A_10 = arith.constant 128 : i32
    %scan3A_11 = arith.addi %scan3A, %scan3A_10 : i32
    %scan3A_12 = arith.constant 1 : i32
    %scan3A_13:2 = scf.for %scan3A_310 = %scan3A to %scan3A_11 step %scan3A_12 iter_args(%scan3A_311 = %broadcast_in_dim3A_9, %scan3A_312 = %broadcast_in_dim3A_9) -> (vector<16xf32>, vector<16xf32>)  : i32 {
      %mul3A_313 = arith.constant 16 : i32
      %mul3A_314 = arith.muli %scan3A_310, %mul3A_313 : i32
      %get3A = arith.constant 0 : i32
      %get3A_315 = arith.index_cast %get3A : i32 to index
      %get3A_316 = arith.index_cast %mul3A_314 : i32 to index
      %get3A_317 = tpu.vector_load %arg7[%get3A_315, %get3A_316] {strides = array<i32>} : memref<8x2048xf32, #tpu.memory_space<vmem>>, vector<1x16xf32>,
      %get3A_318 = vector.shape_cast %get3A_317 : vector<1x16xf32> to vector<16xf32>
      %get3A_319 = arith.constant 0 : i32
      %get3A_320 = arith.index_cast %get3A_319 : i32 to index
      %get3A_321 = arith.index_cast %mul3A_314 : i32 to index
      %get3A_322 = tpu.vector_load %arg10[%get3A_320, %get3A_321] {strides = array<i32>} : memref<8x2048xf32, #tpu.memory_space<vmem>>, vector<1x16xf32>,
      %get3A_323 = vector.shape_cast %get3A_322 : vector<1x16xf32> to vector<16xf32>
      %get3A_324 = arith.constant 0 : i32
      %get3A_325 = arith.index_cast %get3A_324 : i32 to index
      %get3A_326 = arith.index_cast %mul3A_314 : i32 to index
      %get3A_327 = tpu.vector_load %arg8[%get3A_325, %get3A_326] {strides = array<i32>} : memref<8x2048xf32, #tpu.memory_space<vmem>>, vector<1x16xf32>,
      %get3A_328 = vector.shape_cast %get3A_327 : vector<1x16xf32> to vector<16xf32>
      %sub3A = arith.subf %get3A_328, %get3A_318 : vector<16xf32>
      %abs3A = math.absf %sub3A : vector<16xf32>
      %mul3A_329 = arith.mulf %get3A_323, %abs3A : vector<16xf32>
      %add3A_330 = arith.addf %scan3A_311, %mul3A_329 : vector<16xf32>
      %get3A_331 = arith.constant 0 : i32
      %get3A_332 = arith.index_cast %get3A_331 : i32 to index
      %get3A_333 = arith.index_cast %mul3A_314 : i32 to index
      %get3A_334 = tpu.vector_load %arg9[%get3A_332, %get3A_333] {strides = array<i32>} : memref<8x2048xf32, #tpu.memory_space<vmem>>, vector<1x16xf32>,
      %get3A_335 = vector.shape_cast %get3A_334 : vector<1x16xf32> to vector<16xf32>
      %sub3A_336 = arith.subf %get3A_335, %get3A_318 : vector<16xf32>
      %abs3A_337 = math.absf %sub3A_336 : vector<16xf32>
      %mul3A_338 = arith.mulf %get3A_323, %abs3A_337 : vector<16xf32>
      %add3A_339 = arith.addf %scan3A_312, %mul3A_338 : vector<16xf32>
      scf.yield %add3A_330, %add3A_339 : vector<16xf32>, vector<16xf32>
    }
    %scan3A_14 = arith.constant 128 : i32
    %lt3A_15 = arith.constant 40 : i32
    %lt3A_16 = arith.cmpi slt, %add3A_5, %lt3A_15 : i32
    %convert_element_type3A_17 = arith.extui %lt3A_16 : i1 to i32
    %convert_element_type3A_18 = arith.sitofp %convert_element_type3A_17 : i32 to f32
    %mul3A_19 = vector.broadcast %convert_element_type3A_18 : f32 to vector<16xf32>
    %mul3A_20 = arith.mulf %scan3A_13#0, %mul3A_19 : vector<16xf32>
    %add3A_21 = arith.addf %broadcast_in_dim3A_1, %mul3A_20 : vector<16xf32>
    %mul3A_22 = vector.broadcast %convert_element_type3A_18 : f32 to vector<16xf32>
    %mul3A_23 = arith.mulf %scan3A_13#1, %mul3A_22 : vector<16xf32>
    %add3A_24 = arith.addf %broadcast_in_dim3A_3, %mul3A_23 : vector<16xf32>
    %broadcast_in_dim3A_25 = arith.constant 0.000000e+00 : f32
    %broadcast_in_dim3A_26 = vector.broadcast %broadcast_in_dim3A_25 : f32 to vector<16xf32>
    %scan3A_27 = arith.constant 0 : i32
    %scan3A_28 = arith.constant 128 : i32
    %scan3A_29 = arith.addi %scan3A_27, %scan3A_28 : i32
    %scan3A_30 = arith.constant 1 : i32
    %scan3A_31:2 = scf.for %scan3A_310 = %scan3A_27 to %scan3A_29 step %scan3A_30 iter_args(%scan3A_311 = %broadcast_in_dim3A_26, %scan3A_312 = %broadcast_in_dim3A_26) -> (vector<16xf32>, vector<16xf32>)  : i32 {
      %mul3A_313 = arith.constant 16 : i32
      %mul3A_314 = arith.muli %scan3A_310, %mul3A_313 : i32
      %get3A = arith.constant 1 : i32
      %get3A_315 = arith.index_cast %get3A : i32 to index
      %get3A_316 = arith.index_cast %mul3A_314 : i32 to index
      %get3A_317 = tpu.vector_load %arg7[%get3A_315, %get3A_316] {strides = array<i32>} : memref<8x2048xf32, #tpu.memory_space<vmem>>, vector<1x16xf32>,
      %get3A_318 = vector.shape_cast %get3A_317 : vector<1x16xf32> to vector<16xf32>
      %get3A_319 = arith.constant 1 : i32
      %get3A_320 = arith.index_cast %get3A_319 : i32 to index
      %get3A_321 = arith.index_cast %mul3A_314 : i32 to index
      %get3A_322 = tpu.vector_load %arg10[%get3A_320, %get3A_321] {strides = array<i32>} : memref<8x2048xf32, #tpu.memory_space<vmem>>, vector<1x16xf32>,
      %get3A_323 = vector.shape_cast %get3A_322 : vector<1x16xf32> to vector<16xf32>
      %get3A_324 = arith.constant 1 : i32
      %get3A_325 = arith.index_cast %get3A_324 : i32 to index
      %get3A_326 = arith.index_cast %mul3A_314 : i32 to index
      %get3A_327 = tpu.vector_load %arg8[%get3A_325, %get3A_326] {strides = array<i32>} : memref<8x2048xf32, #tpu.memory_space<vmem>>, vector<1x16xf32>,
      %get3A_328 = vector.shape_cast %get3A_327 : vector<1x16xf32> to vector<16xf32>
      %sub3A = arith.subf %get3A_328, %get3A_318 : vector<16xf32>
      %abs3A = math.absf %sub3A : vector<16xf32>
      %mul3A_329 = arith.mulf %get3A_323, %abs3A : vector<16xf32>
      %add3A_330 = arith.addf %scan3A_311, %mul3A_329 : vector<16xf32>
      %get3A_331 = arith.constant 1 : i32
      %get3A_332 = arith.index_cast %get3A_331 : i32 to index
      %get3A_333 = arith.index_cast %mul3A_314 : i32 to index
      %get3A_334 = tpu.vector_load %arg9[%get3A_332, %get3A_333] {strides = array<i32>} : memref<8x2048xf32, #tpu.memory_space<vmem>>, vector<1x16xf32>,
      %get3A_335 = vector.shape_cast %get3A_334 : vector<1x16xf32> to vector<16xf32>
      %sub3A_336 = arith.subf %get3A_335, %get3A_318 : vector<16xf32>
      %abs3A_337 = math.absf %sub3A_336 : vector<16xf32>
      %mul3A_338 = arith.mulf %get3A_323, %abs3A_337 : vector<16xf32>
      %add3A_339 = arith.addf %scan3A_312, %mul3A_338 : vector<16xf32>
      scf.yield %add3A_330, %add3A_339 : vector<16xf32>, vector<16xf32>
    }
    %scan3A_32 = arith.constant 128 : i32
    %lt3A_33 = arith.constant 40 : i32
    %lt3A_34 = arith.cmpi slt, %add3A_5, %lt3A_33 : i32
    %convert_element_type3A_35 = arith.extui %lt3A_34 : i1 to i32
    %convert_element_type3A_36 = arith.sitofp %convert_element_type3A_35 : i32 to f32
    %mul3A_37 = vector.broadcast %convert_element_type3A_36 : f32 to vector<16xf32>
    %mul3A_38 = arith.mulf %scan3A_31#0, %mul3A_37 : vector<16xf32>
    %add3A_39 = arith.addf %add3A_21, %mul3A_38 : vector<16xf32>
    %mul3A_40 = vector.broadcast %convert_element_type3A_36 : f32 to vector<16xf32>
    %mul3A_41 = arith.mulf %scan3A_31#1, %mul3A_40 : vector<16xf32>
    %add3A_42 = arith.addf %add3A_24, %mul3A_41 : vector<16xf32>
    %broadcast_in_dim3A_43 = arith.constant 0.000000e+00 : f32
    %broadcast_in_dim3A_44 = vector.broadcast %broadcast_in_dim3A_43 : f32 to vector<16xf32>
    %scan3A_45 = arith.constant 0 : i32
    %scan3A_46 = arith.constant 128 : i32
    %scan3A_47 = arith.addi %scan3A_45, %scan3A_46 : i32
    %scan3A_48 = arith.constant 1 : i32
    %scan3A_49:2 = scf.for %scan3A_310 = %scan3A_45 to %scan3A_47 step %scan3A_48 iter_args(%scan3A_311 = %broadcast_in_dim3A_44, %scan3A_312 = %broadcast_in_dim3A_44) -> (vector<16xf32>, vector<16xf32>)  : i32 {
      %mul3A_313 = arith.constant 16 : i32
      %mul3A_314 = arith.muli %scan3A_310, %mul3A_313 : i32
      %get3A = arith.constant 2 : i32
      %get3A_315 = arith.index_cast %get3A : i32 to index
      %get3A_316 = arith.index_cast %mul3A_314 : i32 to index
      %get3A_317 = tpu.vector_load %arg7[%get3A_315, %get3A_316] {strides = array<i32>} : memref<8x2048xf32, #tpu.memory_space<vmem>>, vector<1x16xf32>,
      %get3A_318 = vector.shape_cast %get3A_317 : vector<1x16xf32> to vector<16xf32>
      %get3A_319 = arith.constant 2 : i32
      %get3A_320 = arith.index_cast %get3A_319 : i32 to index
      %get3A_321 = arith.index_cast %mul3A_314 : i32 to index
      %get3A_322 = tpu.vector_load %arg10[%get3A_320, %get3A_321] {strides = array<i32>} : memref<8x2048xf32, #tpu.memory_space<vmem>>, vector<1x16xf32>,
      %get3A_323 = vector.shape_cast %get3A_322 : vector<1x16xf32> to vector<16xf32>
      %get3A_324 = arith.constant 2 : i32
      %get3A_325 = arith.index_cast %get3A_324 : i32 to index
      %get3A_326 = arith.index_cast %mul3A_314 : i32 to index
      %get3A_327 = tpu.vector_load %arg8[%get3A_325, %get3A_326] {strides = array<i32>} : memref<8x2048xf32, #tpu.memory_space<vmem>>, vector<1x16xf32>,
      %get3A_328 = vector.shape_cast %get3A_327 : vector<1x16xf32> to vector<16xf32>
      %sub3A = arith.subf %get3A_328, %get3A_318 : vector<16xf32>
      %abs3A = math.absf %sub3A : vector<16xf32>
      %mul3A_329 = arith.mulf %get3A_323, %abs3A : vector<16xf32>
      %add3A_330 = arith.addf %scan3A_311, %mul3A_329 : vector<16xf32>
      %get3A_331 = arith.constant 2 : i32
      %get3A_332 = arith.index_cast %get3A_331 : i32 to index
      %get3A_333 = arith.index_cast %mul3A_314 : i32 to index
      %get3A_334 = tpu.vector_load %arg9[%get3A_332, %get3A_333] {strides = array<i32>} : memref<8x2048xf32, #tpu.memory_space<vmem>>, vector<1x16xf32>,
      %get3A_335 = vector.shape_cast %get3A_334 : vector<1x16xf32> to vector<16xf32>
      %sub3A_336 = arith.subf %get3A_335, %get3A_318 : vector<16xf32>
      %abs3A_337 = math.absf %sub3A_336 : vector<16xf32>
      %mul3A_338 = arith.mulf %get3A_323, %abs3A_337 : vector<16xf32>
      %add3A_339 = arith.addf %scan3A_312, %mul3A_338 : vector<16xf32>
      scf.yield %add3A_330, %add3A_339 : vector<16xf32>, vector<16xf32>
    }
    %scan3A_50 = arith.constant 128 : i32
    %lt3A_51 = arith.constant 40 : i32
    %lt3A_52 = arith.cmpi slt, %add3A_5, %lt3A_51 : i32
    %convert_element_type3A_53 = arith.extui %lt3A_52 : i1 to i32
    %convert_element_type3A_54 = arith.sitofp %convert_element_type3A_53 : i32 to f32
    %mul3A_55 = vector.broadcast %convert_element_type3A_54 : f32 to vector<16xf32>
    %mul3A_56 = arith.mulf %scan3A_49#0, %mul3A_55 : vector<16xf32>
    %add3A_57 = arith.addf %add3A_39, %mul3A_56 : vector<16xf32>
    %mul3A_58 = vector.broadcast %convert_element_type3A_54 : f32 to vector<16xf32>
    %mul3A_59 = arith.mulf %scan3A_49#1, %mul3A_58 : vector<16xf32>
    %add3A_60 = arith.addf %add3A_42, %mul3A_59 : vector<16xf32>
    %broadcast_in_dim3A_61 = arith.constant 0.000000e+00 : f32
    %broadcast_in_dim3A_62 = vector.broadcast %broadcast_in_dim3A_61 : f32 to vector<16xf32>
    %scan3A_63 = arith.constant 0 : i32
    %scan3A_64 = arith.constant 128 : i32
    %scan3A_65 = arith.addi %scan3A_63, %scan3A_64 : i32
    %scan3A_66 = arith.constant 1 : i32
    %scan3A_67:2 = scf.for %scan3A_310 = %scan3A_63 to %scan3A_65 step %scan3A_66 iter_args(%scan3A_311 = %broadcast_in_dim3A_62, %scan3A_312 = %broadcast_in_dim3A_62) -> (vector<16xf32>, vector<16xf32>)  : i32 {
      %mul3A_313 = arith.constant 16 : i32
      %mul3A_314 = arith.muli %scan3A_310, %mul3A_313 : i32
      %get3A = arith.constant 3 : i32
      %get3A_315 = arith.index_cast %get3A : i32 to index
      %get3A_316 = arith.index_cast %mul3A_314 : i32 to index
      %get3A_317 = tpu.vector_load %arg7[%get3A_315, %get3A_316] {strides = array<i32>} : memref<8x2048xf32, #tpu.memory_space<vmem>>, vector<1x16xf32>,
      %get3A_318 = vector.shape_cast %get3A_317 : vector<1x16xf32> to vector<16xf32>
      %get3A_319 = arith.constant 3 : i32
      %get3A_320 = arith.index_cast %get3A_319 : i32 to index
      %get3A_321 = arith.index_cast %mul3A_314 : i32 to index
      %get3A_322 = tpu.vector_load %arg10[%get3A_320, %get3A_321] {strides = array<i32>} : memref<8x2048xf32, #tpu.memory_space<vmem>>, vector<1x16xf32>,
      %get3A_323 = vector.shape_cast %get3A_322 : vector<1x16xf32> to vector<16xf32>
      %get3A_324 = arith.constant 3 : i32
      %get3A_325 = arith.index_cast %get3A_324 : i32 to index
      %get3A_326 = arith.index_cast %mul3A_314 : i32 to index
      %get3A_327 = tpu.vector_load %arg8[%get3A_325, %get3A_326] {strides = array<i32>} : memref<8x2048xf32, #tpu.memory_space<vmem>>, vector<1x16xf32>,
      %get3A_328 = vector.shape_cast %get3A_327 : vector<1x16xf32> to vector<16xf32>
      %sub3A = arith.subf %get3A_328, %get3A_318 : vector<16xf32>
      %abs3A = math.absf %sub3A : vector<16xf32>
      %mul3A_329 = arith.mulf %get3A_323, %abs3A : vector<16xf32>
      %add3A_330 = arith.addf %scan3A_311, %mul3A_329 : vector<16xf32>
      %get3A_331 = arith.constant 3 : i32
      %get3A_332 = arith.index_cast %get3A_331 : i32 to index
      %get3A_333 = arith.index_cast %mul3A_314 : i32 to index
      %get3A_334 = tpu.vector_load %arg9[%get3A_332, %get3A_333] {strides = array<i32>} : memref<8x2048xf32, #tpu.memory_space<vmem>>, vector<1x16xf32>,
      %get3A_335 = vector.shape_cast %get3A_334 : vector<1x16xf32> to vector<16xf32>
      %sub3A_336 = arith.subf %get3A_335, %get3A_318 : vector<16xf32>
      %abs3A_337 = math.absf %sub3A_336 : vector<16xf32>
      %mul3A_338 = arith.mulf %get3A_323, %abs3A_337 : vector<16xf32>
      %add3A_339 = arith.addf %scan3A_312, %mul3A_338 : vector<16xf32>
      scf.yield %add3A_330, %add3A_339 : vector<16xf32>, vector<16xf32>
    }
    %scan3A_68 = arith.constant 128 : i32
    %lt3A_69 = arith.constant 40 : i32
    %lt3A_70 = arith.cmpi slt, %add3A_5, %lt3A_69 : i32
    %convert_element_type3A_71 = arith.extui %lt3A_70 : i1 to i32
    %convert_element_type3A_72 = arith.sitofp %convert_element_type3A_71 : i32 to f32
    %mul3A_73 = vector.broadcast %convert_element_type3A_72 : f32 to vector<16xf32>
    %mul3A_74 = arith.mulf %scan3A_67#0, %mul3A_73 : vector<16xf32>
    %add3A_75 = arith.addf %add3A_57, %mul3A_74 : vector<16xf32>
    %mul3A_76 = vector.broadcast %convert_element_type3A_72 : f32 to vector<16xf32>
    %mul3A_77 = arith.mulf %scan3A_67#1, %mul3A_76 : vector<16xf32>
    %add3A_78 = arith.addf %add3A_60, %mul3A_77 : vector<16xf32>
    %broadcast_in_dim3A_79 = arith.constant 0.000000e+00 : f32
    %broadcast_in_dim3A_80 = vector.broadcast %broadcast_in_dim3A_79 : f32 to vector<16xf32>
    %scan3A_81 = arith.constant 0 : i32
    %scan3A_82 = arith.constant 128 : i32
    %scan3A_83 = arith.addi %scan3A_81, %scan3A_82 : i32
    %scan3A_84 = arith.constant 1 : i32
    %scan3A_85:2 = scf.for %scan3A_310 = %scan3A_81 to %scan3A_83 step %scan3A_84 iter_args(%scan3A_311 = %broadcast_in_dim3A_80, %scan3A_312 = %broadcast_in_dim3A_80) -> (vector<16xf32>, vector<16xf32>)  : i32 {
      %mul3A_313 = arith.constant 16 : i32
      %mul3A_314 = arith.muli %scan3A_310, %mul3A_313 : i32
      %get3A = arith.constant 4 : i32
      %get3A_315 = arith.index_cast %get3A : i32 to index
      %get3A_316 = arith.index_cast %mul3A_314 : i32 to index
      %get3A_317 = tpu.vector_load %arg7[%get3A_315, %get3A_316] {strides = array<i32>} : memref<8x2048xf32, #tpu.memory_space<vmem>>, vector<1x16xf32>,
      %get3A_318 = vector.shape_cast %get3A_317 : vector<1x16xf32> to vector<16xf32>
      %get3A_319 = arith.constant 4 : i32
      %get3A_320 = arith.index_cast %get3A_319 : i32 to index
      %get3A_321 = arith.index_cast %mul3A_314 : i32 to index
      %get3A_322 = tpu.vector_load %arg10[%get3A_320, %get3A_321] {strides = array<i32>} : memref<8x2048xf32, #tpu.memory_space<vmem>>, vector<1x16xf32>,
      %get3A_323 = vector.shape_cast %get3A_322 : vector<1x16xf32> to vector<16xf32>
      %get3A_324 = arith.constant 4 : i32
      %get3A_325 = arith.index_cast %get3A_324 : i32 to index
      %get3A_326 = arith.index_cast %mul3A_314 : i32 to index
      %get3A_327 = tpu.vector_load %arg8[%get3A_325, %get3A_326] {strides = array<i32>} : memref<8x2048xf32, #tpu.memory_space<vmem>>, vector<1x16xf32>,
      %get3A_328 = vector.shape_cast %get3A_327 : vector<1x16xf32> to vector<16xf32>
      %sub3A = arith.subf %get3A_328, %get3A_318 : vector<16xf32>
      %abs3A = math.absf %sub3A : vector<16xf32>
      %mul3A_329 = arith.mulf %get3A_323, %abs3A : vector<16xf32>
      %add3A_330 = arith.addf %scan3A_311, %mul3A_329 : vector<16xf32>
      %get3A_331 = arith.constant 4 : i32
      %get3A_332 = arith.index_cast %get3A_331 : i32 to index
      %get3A_333 = arith.index_cast %mul3A_314 : i32 to index
      %get3A_334 = tpu.vector_load %arg9[%get3A_332, %get3A_333] {strides = array<i32>} : memref<8x2048xf32, #tpu.memory_space<vmem>>, vector<1x16xf32>,
      %get3A_335 = vector.shape_cast %get3A_334 : vector<1x16xf32> to vector<16xf32>
      %sub3A_336 = arith.subf %get3A_335, %get3A_318 : vector<16xf32>
      %abs3A_337 = math.absf %sub3A_336 : vector<16xf32>
      %mul3A_338 = arith.mulf %get3A_323, %abs3A_337 : vector<16xf32>
      %add3A_339 = arith.addf %scan3A_312, %mul3A_338 : vector<16xf32>
      scf.yield %add3A_330, %add3A_339 : vector<16xf32>, vector<16xf32>
    }
    %scan3A_86 = arith.constant 128 : i32
    %lt3A_87 = arith.constant 40 : i32
    %lt3A_88 = arith.cmpi slt, %add3A_5, %lt3A_87 : i32
    %convert_element_type3A_89 = arith.extui %lt3A_88 : i1 to i32
    %convert_element_type3A_90 = arith.sitofp %convert_element_type3A_89 : i32 to f32
    %mul3A_91 = vector.broadcast %convert_element_type3A_90 : f32 to vector<16xf32>
    %mul3A_92 = arith.mulf %scan3A_85#0, %mul3A_91 : vector<16xf32>
    %add3A_93 = arith.addf %add3A_75, %mul3A_92 : vector<16xf32>
    %mul3A_94 = vector.broadcast %convert_element_type3A_90 : f32 to vector<16xf32>
    %mul3A_95 = arith.mulf %scan3A_85#1, %mul3A_94 : vector<16xf32>
    %add3A_96 = arith.addf %add3A_78, %mul3A_95 : vector<16xf32>
    %broadcast_in_dim3A_97 = arith.constant 0.000000e+00 : f32
    %broadcast_in_dim3A_98 = vector.broadcast %broadcast_in_dim3A_97 : f32 to vector<16xf32>
    %scan3A_99 = arith.constant 0 : i32
    %scan3A_100 = arith.constant 128 : i32
    %scan3A_101 = arith.addi %scan3A_99, %scan3A_100 : i32
    %scan3A_102 = arith.constant 1 : i32
    %scan3A_103:2 = scf.for %scan3A_310 = %scan3A_99 to %scan3A_101 step %scan3A_102 iter_args(%scan3A_311 = %broadcast_in_dim3A_98, %scan3A_312 = %broadcast_in_dim3A_98) -> (vector<16xf32>, vector<16xf32>)  : i32 {
      %mul3A_313 = arith.constant 16 : i32
      %mul3A_314 = arith.muli %scan3A_310, %mul3A_313 : i32
      %get3A = arith.constant 5 : i32
      %get3A_315 = arith.index_cast %get3A : i32 to index
      %get3A_316 = arith.index_cast %mul3A_314 : i32 to index
      %get3A_317 = tpu.vector_load %arg7[%get3A_315, %get3A_316] {strides = array<i32>} : memref<8x2048xf32, #tpu.memory_space<vmem>>, vector<1x16xf32>,
      %get3A_318 = vector.shape_cast %get3A_317 : vector<1x16xf32> to vector<16xf32>
      %get3A_319 = arith.constant 5 : i32
      %get3A_320 = arith.index_cast %get3A_319 : i32 to index
      %get3A_321 = arith.index_cast %mul3A_314 : i32 to index
      %get3A_322 = tpu.vector_load %arg10[%get3A_320, %get3A_321] {strides = array<i32>} : memref<8x2048xf32, #tpu.memory_space<vmem>>, vector<1x16xf32>,
      %get3A_323 = vector.shape_cast %get3A_322 : vector<1x16xf32> to vector<16xf32>
      %get3A_324 = arith.constant 5 : i32
      %get3A_325 = arith.index_cast %get3A_324 : i32 to index
      %get3A_326 = arith.index_cast %mul3A_314 : i32 to index
      %get3A_327 = tpu.vector_load %arg8[%get3A_325, %get3A_326] {strides = array<i32>} : memref<8x2048xf32, #tpu.memory_space<vmem>>, vector<1x16xf32>,
      %get3A_328 = vector.shape_cast %get3A_327 : vector<1x16xf32> to vector<16xf32>
      %sub3A = arith.subf %get3A_328, %get3A_318 : vector<16xf32>
      %abs3A = math.absf %sub3A : vector<16xf32>
      %mul3A_329 = arith.mulf %get3A_323, %abs3A : vector<16xf32>
      %add3A_330 = arith.addf %scan3A_311, %mul3A_329 : vector<16xf32>
      %get3A_331 = arith.constant 5 : i32
      %get3A_332 = arith.index_cast %get3A_331 : i32 to index
      %get3A_333 = arith.index_cast %mul3A_314 : i32 to index
      %get3A_334 = tpu.vector_load %arg9[%get3A_332, %get3A_333] {strides = array<i32>} : memref<8x2048xf32, #tpu.memory_space<vmem>>, vector<1x16xf32>,
      %get3A_335 = vector.shape_cast %get3A_334 : vector<1x16xf32> to vector<16xf32>
      %sub3A_336 = arith.subf %get3A_335, %get3A_318 : vector<16xf32>
      %abs3A_337 = math.absf %sub3A_336 : vector<16xf32>
      %mul3A_338 = arith.mulf %get3A_323, %abs3A_337 : vector<16xf32>
      %add3A_339 = arith.addf %scan3A_312, %mul3A_338 : vector<16xf32>
      scf.yield %add3A_330, %add3A_339 : vector<16xf32>, vector<16xf32>
    }
    %scan3A_104 = arith.constant 128 : i32
    %lt3A_105 = arith.constant 40 : i32
    %lt3A_106 = arith.cmpi slt, %add3A_5, %lt3A_105 : i32
    %convert_element_type3A_107 = arith.extui %lt3A_106 : i1 to i32
    %convert_element_type3A_108 = arith.sitofp %convert_element_type3A_107 : i32 to f32
    %mul3A_109 = vector.broadcast %convert_element_type3A_108 : f32 to vector<16xf32>
    %mul3A_110 = arith.mulf %scan3A_103#0, %mul3A_109 : vector<16xf32>
    %add3A_111 = arith.addf %add3A_93, %mul3A_110 : vector<16xf32>
    %mul3A_112 = vector.broadcast %convert_element_type3A_108 : f32 to vector<16xf32>
    %mul3A_113 = arith.mulf %scan3A_103#1, %mul3A_112 : vector<16xf32>
    %add3A_114 = arith.addf %add3A_96, %mul3A_113 : vector<16xf32>
    %broadcast_in_dim3A_115 = arith.constant 0.000000e+00 : f32
    %broadcast_in_dim3A_116 = vector.broadcast %broadcast_in_dim3A_115 : f32 to vector<16xf32>
    %scan3A_117 = arith.constant 0 : i32
    %scan3A_118 = arith.constant 128 : i32
    %scan3A_119 = arith.addi %scan3A_117, %scan3A_118 : i32
    %scan3A_120 = arith.constant 1 : i32
    %scan3A_121:2 = scf.for %scan3A_310 = %scan3A_117 to %scan3A_119 step %scan3A_120 iter_args(%scan3A_311 = %broadcast_in_dim3A_116, %scan3A_312 = %broadcast_in_dim3A_116) -> (vector<16xf32>, vector<16xf32>)  : i32 {
      %mul3A_313 = arith.constant 16 : i32
      %mul3A_314 = arith.muli %scan3A_310, %mul3A_313 : i32
      %get3A = arith.constant 6 : i32
      %get3A_315 = arith.index_cast %get3A : i32 to index
      %get3A_316 = arith.index_cast %mul3A_314 : i32 to index
      %get3A_317 = tpu.vector_load %arg7[%get3A_315, %get3A_316] {strides = array<i32>} : memref<8x2048xf32, #tpu.memory_space<vmem>>, vector<1x16xf32>,
      %get3A_318 = vector.shape_cast %get3A_317 : vector<1x16xf32> to vector<16xf32>
      %get3A_319 = arith.constant 6 : i32
      %get3A_320 = arith.index_cast %get3A_319 : i32 to index
      %get3A_321 = arith.index_cast %mul3A_314 : i32 to index
      %get3A_322 = tpu.vector_load %arg10[%get3A_320, %get3A_321] {strides = array<i32>} : memref<8x2048xf32, #tpu.memory_space<vmem>>, vector<1x16xf32>,
      %get3A_323 = vector.shape_cast %get3A_322 : vector<1x16xf32> to vector<16xf32>
      %get3A_324 = arith.constant 6 : i32
      %get3A_325 = arith.index_cast %get3A_324 : i32 to index
      %get3A_326 = arith.index_cast %mul3A_314 : i32 to index
      %get3A_327 = tpu.vector_load %arg8[%get3A_325, %get3A_326] {strides = array<i32>} : memref<8x2048xf32, #tpu.memory_space<vmem>>, vector<1x16xf32>,
      %get3A_328 = vector.shape_cast %get3A_327 : vector<1x16xf32> to vector<16xf32>
      %sub3A = arith.subf %get3A_328, %get3A_318 : vector<16xf32>
      %abs3A = math.absf %sub3A : vector<16xf32>
      %mul3A_329 = arith.mulf %get3A_323, %abs3A : vector<16xf32>
      %add3A_330 = arith.addf %scan3A_311, %mul3A_329 : vector<16xf32>
      %get3A_331 = arith.constant 6 : i32
      %get3A_332 = arith.index_cast %get3A_331 : i32 to index
      %get3A_333 = arith.index_cast %mul3A_314 : i32 to index
      %get3A_334 = tpu.vector_load %arg9[%get3A_332, %get3A_333] {strides = array<i32>} : memref<8x2048xf32, #tpu.memory_space<vmem>>, vector<1x16xf32>,
      %get3A_335 = vector.shape_cast %get3A_334 : vector<1x16xf32> to vector<16xf32>
      %sub3A_336 = arith.subf %get3A_335, %get3A_318 : vector<16xf32>
      %abs3A_337 = math.absf %sub3A_336 : vector<16xf32>
      %mul3A_338 = arith.mulf %get3A_323, %abs3A_337 : vector<16xf32>
      %add3A_339 = arith.addf %scan3A_312, %mul3A_338 : vector<16xf32>
      scf.yield %add3A_330, %add3A_339 : vector<16xf32>, vector<16xf32>
    }
    %scan3A_122 = arith.constant 128 : i32
    %lt3A_123 = arith.constant 40 : i32
    %lt3A_124 = arith.cmpi slt, %add3A_5, %lt3A_123 : i32
    %convert_element_type3A_125 = arith.extui %lt3A_124 : i1 to i32
    %convert_element_type3A_126 = arith.sitofp %convert_element_type3A_125 : i32 to f32
    %mul3A_127 = vector.broadcast %convert_element_type3A_126 : f32 to vector<16xf32>
    %mul3A_128 = arith.mulf %scan3A_121#0, %mul3A_127 : vector<16xf32>
    %add3A_129 = arith.addf %add3A_111, %mul3A_128 : vector<16xf32>
    %mul3A_130 = vector.broadcast %convert_element_type3A_126 : f32 to vector<16xf32>
    %mul3A_131 = arith.mulf %scan3A_121#1, %mul3A_130 : vector<16xf32>
    %add3A_132 = arith.addf %add3A_114, %mul3A_131 : vector<16xf32>
    %broadcast_in_dim3A_133 = arith.constant 0.000000e+00 : f32
    %broadcast_in_dim3A_134 = vector.broadcast %broadcast_in_dim3A_133 : f32 to vector<16xf32>
    %scan3A_135 = arith.constant 0 : i32
    %scan3A_136 = arith.constant 128 : i32
    %scan3A_137 = arith.addi %scan3A_135, %scan3A_136 : i32
    %scan3A_138 = arith.constant 1 : i32
    %scan3A_139:2 = scf.for %scan3A_310 = %scan3A_135 to %scan3A_137 step %scan3A_138 iter_args(%scan3A_311 = %broadcast_in_dim3A_134, %scan3A_312 = %broadcast_in_dim3A_134) -> (vector<16xf32>, vector<16xf32>)  : i32 {
      %mul3A_313 = arith.constant 16 : i32
      %mul3A_314 = arith.muli %scan3A_310, %mul3A_313 : i32
      %get3A = arith.constant 7 : i32
      %get3A_315 = arith.index_cast %get3A : i32 to index
      %get3A_316 = arith.index_cast %mul3A_314 : i32 to index
      %get3A_317 = tpu.vector_load %arg7[%get3A_315, %get3A_316] {strides = array<i32>} : memref<8x2048xf32, #tpu.memory_space<vmem>>, vector<1x16xf32>,
      %get3A_318 = vector.shape_cast %get3A_317 : vector<1x16xf32> to vector<16xf32>
      %get3A_319 = arith.constant 7 : i32
      %get3A_320 = arith.index_cast %get3A_319 : i32 to index
      %get3A_321 = arith.index_cast %mul3A_314 : i32 to index
      %get3A_322 = tpu.vector_load %arg10[%get3A_320, %get3A_321] {strides = array<i32>} : memref<8x2048xf32, #tpu.memory_space<vmem>>, vector<1x16xf32>,
      %get3A_323 = vector.shape_cast %get3A_322 : vector<1x16xf32> to vector<16xf32>
      %get3A_324 = arith.constant 7 : i32
      %get3A_325 = arith.index_cast %get3A_324 : i32 to index
      %get3A_326 = arith.index_cast %mul3A_314 : i32 to index
      %get3A_327 = tpu.vector_load %arg8[%get3A_325, %get3A_326] {strides = array<i32>} : memref<8x2048xf32, #tpu.memory_space<vmem>>, vector<1x16xf32>,
      %get3A_328 = vector.shape_cast %get3A_327 : vector<1x16xf32> to vector<16xf32>
      %sub3A = arith.subf %get3A_328, %get3A_318 : vector<16xf32>
      %abs3A = math.absf %sub3A : vector<16xf32>
      %mul3A_329 = arith.mulf %get3A_323, %abs3A : vector<16xf32>
      %add3A_330 = arith.addf %scan3A_311, %mul3A_329 : vector<16xf32>
      %get3A_331 = arith.constant 7 : i32
      %get3A_332 = arith.index_cast %get3A_331 : i32 to index
      %get3A_333 = arith.index_cast %mul3A_314 : i32 to index
      %get3A_334 = tpu.vector_load %arg9[%get3A_332, %get3A_333] {strides = array<i32>} : memref<8x2048xf32, #tpu.memory_space<vmem>>, vector<1x16xf32>,
      %get3A_335 = vector.shape_cast %get3A_334 : vector<1x16xf32> to vector<16xf32>
      %sub3A_336 = arith.subf %get3A_335, %get3A_318 : vector<16xf32>
      %abs3A_337 = math.absf %sub3A_336 : vector<16xf32>
      %mul3A_338 = arith.mulf %get3A_323, %abs3A_337 : vector<16xf32>
      %add3A_339 = arith.addf %scan3A_312, %mul3A_338 : vector<16xf32>
      scf.yield %add3A_330, %add3A_339 : vector<16xf32>, vector<16xf32>
    }
    %scan3A_140 = arith.constant 128 : i32
    %lt3A_141 = arith.constant 40 : i32
    %lt3A_142 = arith.cmpi slt, %add3A_5, %lt3A_141 : i32
    %convert_element_type3A_143 = arith.extui %lt3A_142 : i1 to i32
    %convert_element_type3A_144 = arith.sitofp %convert_element_type3A_143 : i32 to f32
    %mul3A_145 = vector.broadcast %convert_element_type3A_144 : f32 to vector<16xf32>
    %mul3A_146 = arith.mulf %scan3A_139#0, %mul3A_145 : vector<16xf32>
    %add3A_147 = arith.addf %add3A_129, %mul3A_146 : vector<16xf32>
    %mul3A_148 = vector.broadcast %convert_element_type3A_144 : f32 to vector<16xf32>
    %mul3A_149 = arith.mulf %scan3A_139#1, %mul3A_148 : vector<16xf32>
    %add3A_150 = arith.addf %add3A_132, %mul3A_149 : vector<16xf32>
    %add3A_151 = arith.constant 32 : i32
    %add3A_152 = arith.addi %add3A, %add3A_151 : i32
    %lt3A_153 = arith.constant 40 : i32
    %lt3A_154 = arith.cmpi slt, %add3A_152, %lt3A_153 : i32
    %convert_element_type3A_155 = arith.extui %lt3A_154 : i1 to i32
    %cond3A_156 = arith.constant 0 : i32
    %cond3A_157 = arith.cmpi ne, %convert_element_type3A_155, %cond3A_156 : i32
    scf.if %cond3A_157 {
      %jit3A = arith.constant 10 : i32
      %div3A = arith.divsi %add3A_152, %jit3A : i32
      %sign3A = arith.constant 0 : i32
      %sign3A_310 = arith.cmpi sgt, %add3A_152, %sign3A : i32
      %sign3A_311 = arith.extui %sign3A_310 : i1 to i32
      %sign3A_312 = arith.constant 0 : i32
      %sign3A_313 = arith.cmpi slt, %add3A_152, %sign3A_312 : i32
      %sign3A_314 = arith.extui %sign3A_313 : i1 to i32
      %sign3A_315 = arith.subi %sign3A_311, %sign3A_314 : i32
      %sign3A_316 = arith.constant 0 : i32
      %sign3A_317 = arith.cmpi sgt, %jit3A, %sign3A_316 : i32
      %sign3A_318 = arith.extui %sign3A_317 : i1 to i32
      %sign3A_319 = arith.constant 0 : i32
      %sign3A_320 = arith.cmpi slt, %jit3A, %sign3A_319 : i32
      %sign3A_321 = arith.extui %sign3A_320 : i1 to i32
      %sign3A_322 = arith.subi %sign3A_318, %sign3A_321 : i32
      %ne3A = arith.cmpi ne, %sign3A_315, %sign3A_322 : i32
      %rem3A = arith.remsi %add3A_152, %jit3A : i32
      %ne3A_323 = arith.constant 0 : i32
      %ne3A_324 = arith.cmpi ne, %rem3A, %ne3A_323 : i32
      %and3A = arith.andi %ne3A, %ne3A_324 : i1
      %sub3A = arith.constant 1 : i32
      %sub3A_325 = arith.subi %div3A, %sub3A : i32
      %select_n3A = arith.select %and3A, %sub3A_325, %div3A : i32
      %add3A_326 = arith.constant 28 : i32
      %add3A_327 = arith.addi %add3A_326, %select_n3A : i32
      %jit3A_328 = arith.constant 10 : i32
      %eq3A = arith.constant 0 : i32
      %eq3A_329 = arith.cmpi eq, %jit3A_328, %eq3A : i32
      %jit3A_330 = arith.constant 1 : i32
      %select_n3A_331 = arith.select %eq3A_329, %jit3A_330, %jit3A_328 : i32
      %rem3A_332 = arith.remsi %add3A_152, %select_n3A_331 : i32
      %ne3A_333 = arith.constant 0 : i32
      %ne3A_334 = arith.cmpi ne, %rem3A_332, %ne3A_333 : i32
      %lt3A_335 = arith.constant 0 : i32
      %lt3A_336 = arith.cmpi slt, %rem3A_332, %lt3A_335 : i32
      %lt3A_337 = arith.constant 0 : i32
      %lt3A_338 = arith.cmpi slt, %select_n3A_331, %lt3A_337 : i32
      %ne3A_339 = arith.xori %lt3A_336, %lt3A_338 : i1
      %and3A_340 = arith.andi %ne3A_339, %ne3A_334 : i1
      %add3A_341 = arith.addi %rem3A_332, %select_n3A_331 : i32
      %select_n3A_342 = arith.select %and3A_340, %add3A_341, %rem3A_332 : i32
      %mul3A_343 = arith.constant 8 : i32
      %mul3A_344 = arith.muli %select_n3A_342, %mul3A_343 : i32
      %dma_start3A = arith.constant 0 : i32
      %dma_start3A_345 = tpu.memref_slice %arg2[%add3A_327, %mul3A_344, %dma_start3A] : memref<32x80x2048xf32, #tpu.memory_space<hbm>> -> memref<1x8x2048xf32, #tpu.memory_space<hbm>>
      %dma_start3A_346 = tpu.memref_squeeze %dma_start3A_345 : memref<1x8x2048xf32, #tpu.memory_space<hbm>> -> memref<8x2048xf32, #tpu.memory_space<hbm>>
      %dma_start3A_347 = arith.constant 0 : i32
      %dma_start3A_348 = tpu.memref_slice %arg2[%add3A_327, %mul3A_344, %dma_start3A_347] : memref<32x80x2048xf32, #tpu.memory_space<hbm>> -> memref<1x8x2048xf32, #tpu.memory_space<hbm>>
      %dma_start3A_349 = tpu.memref_squeeze %dma_start3A_348 : memref<1x8x2048xf32, #tpu.memory_space<hbm>> -> memref<8x2048xf32, #tpu.memory_space<hbm>>
      tpu.enqueue_dma source(%dma_start3A_349 : memref<8x2048xf32, #tpu.memory_space<hbm>>) target(%arg7 : memref<8x2048xf32, #tpu.memory_space<vmem>>) target_semaphore(%arg12 : memref<!tpu.dma_semaphore, #tpu.memory_space<semaphore_mem>>)
      %dma_start3A_350 = arith.constant 0 : i32
      %dma_start3A_351 = tpu.memref_slice %arg3[%add3A_327, %mul3A_344, %dma_start3A_350] : memref<32x80x2048xf32, #tpu.memory_space<hbm>> -> memref<1x8x2048xf32, #tpu.memory_space<hbm>>
      %dma_start3A_352 = tpu.memref_squeeze %dma_start3A_351 : memref<1x8x2048xf32, #tpu.memory_space<hbm>> -> memref<8x2048xf32, #tpu.memory_space<hbm>>
      %dma_start3A_353 = arith.constant 0 : i32
      %dma_start3A_354 = tpu.memref_slice %arg3[%add3A_327, %mul3A_344, %dma_start3A_353] : memref<32x80x2048xf32, #tpu.memory_space<hbm>> -> memref<1x8x2048xf32, #tpu.memory_space<hbm>>
      %dma_start3A_355 = tpu.memref_squeeze %dma_start3A_354 : memref<1x8x2048xf32, #tpu.memory_space<hbm>> -> memref<8x2048xf32, #tpu.memory_space<hbm>>
      tpu.enqueue_dma source(%dma_start3A_355 : memref<8x2048xf32, #tpu.memory_space<hbm>>) target(%arg8 : memref<8x2048xf32, #tpu.memory_space<vmem>>) target_semaphore(%arg12 : memref<!tpu.dma_semaphore, #tpu.memory_space<semaphore_mem>>)
      %dma_start3A_356 = arith.constant 0 : i32
      %dma_start3A_357 = tpu.memref_slice %arg4[%add3A_327, %mul3A_344, %dma_start3A_356] : memref<32x80x2048xf32, #tpu.memory_space<hbm>> -> memref<1x8x2048xf32, #tpu.memory_space<hbm>>
      %dma_start3A_358 = tpu.memref_squeeze %dma_start3A_357 : memref<1x8x2048xf32, #tpu.memory_space<hbm>> -> memref<8x2048xf32, #tpu.memory_space<hbm>>
      %dma_start3A_359 = arith.constant 0 : i32
      %dma_start3A_360 = tpu.memref_slice %arg4[%add3A_327, %mul3A_344, %dma_start3A_359] : memref<32x80x2048xf32, #tpu.memory_space<hbm>> -> memref<1x8x2048xf32, #tpu.memory_space<hbm>>
      %dma_start3A_361 = tpu.memref_squeeze %dma_start3A_360 : memref<1x8x2048xf32, #tpu.memory_space<hbm>> -> memref<8x2048xf32, #tpu.memory_space<hbm>>
      tpu.enqueue_dma source(%dma_start3A_361 : memref<8x2048xf32, #tpu.memory_space<hbm>>) target(%arg9 : memref<8x2048xf32, #tpu.memory_space<vmem>>) target_semaphore(%arg12 : memref<!tpu.dma_semaphore, #tpu.memory_space<semaphore_mem>>)
      %sub3A_362 = arith.constant 28 : i32
      %sub3A_363 = arith.subi %add3A_327, %sub3A_362 : i32
      %dma_start3A_364 = arith.constant 0 : i32
      %dma_start3A_365 = tpu.memref_slice %arg5[%sub3A_363, %mul3A_344, %dma_start3A_364] : memref<4x80x2048xf32, #tpu.memory_space<hbm>> -> memref<1x8x2048xf32, #tpu.memory_space<hbm>>
      %dma_start3A_366 = tpu.memref_squeeze %dma_start3A_365 : memref<1x8x2048xf32, #tpu.memory_space<hbm>> -> memref<8x2048xf32, #tpu.memory_space<hbm>>
      %dma_start3A_367 = arith.constant 0 : i32
      %dma_start3A_368 = tpu.memref_slice %arg5[%sub3A_363, %mul3A_344, %dma_start3A_367] : memref<4x80x2048xf32, #tpu.memory_space<hbm>> -> memref<1x8x2048xf32, #tpu.memory_space<hbm>>
      %dma_start3A_369 = tpu.memref_squeeze %dma_start3A_368 : memref<1x8x2048xf32, #tpu.memory_space<hbm>> -> memref<8x2048xf32, #tpu.memory_space<hbm>>
      tpu.enqueue_dma source(%dma_start3A_369 : memref<8x2048xf32, #tpu.memory_space<hbm>>) target(%arg10 : memref<8x2048xf32, #tpu.memory_space<vmem>>) target_semaphore(%arg12 : memref<!tpu.dma_semaphore, #tpu.memory_space<semaphore_mem>>)
      %dma_wait3A = arith.constant 0 : i32
      %dma_wait3A_370 = tpu.memref_slice %arg2[%add3A_327, %mul3A_344, %dma_wait3A] : memref<32x80x2048xf32, #tpu.memory_space<hbm>> -> memref<1x8x2048xf32, #tpu.memory_space<hbm>>
      %dma_wait3A_371 = tpu.memref_squeeze %dma_wait3A_370 : memref<1x8x2048xf32, #tpu.memory_space<hbm>> -> memref<8x2048xf32, #tpu.memory_space<hbm>>
      %dma_wait3A_372 = arith.constant 0 : i32
      %dma_wait3A_373 = tpu.memref_slice %arg2[%add3A_327, %mul3A_344, %dma_wait3A_372] : memref<32x80x2048xf32, #tpu.memory_space<hbm>> -> memref<1x8x2048xf32, #tpu.memory_space<hbm>>
      %dma_wait3A_374 = tpu.memref_squeeze %dma_wait3A_373 : memref<1x8x2048xf32, #tpu.memory_space<hbm>> -> memref<8x2048xf32, #tpu.memory_space<hbm>>
      tpu.wait_dma2 semaphore(%arg12 : memref<!tpu.dma_semaphore, #tpu.memory_space<semaphore_mem>>) src(%dma_wait3A_374 : memref<8x2048xf32, #tpu.memory_space<hbm>>) dst(%arg7 : memref<8x2048xf32, #tpu.memory_space<vmem>>)
      %dma_wait3A_375 = arith.constant 0 : i32
      %dma_wait3A_376 = tpu.memref_slice %arg3[%add3A_327, %mul3A_344, %dma_wait3A_375] : memref<32x80x2048xf32, #tpu.memory_space<hbm>> -> memref<1x8x2048xf32, #tpu.memory_space<hbm>>
      %dma_wait3A_377 = tpu.memref_squeeze %dma_wait3A_376 : memref<1x8x2048xf32, #tpu.memory_space<hbm>> -> memref<8x2048xf32, #tpu.memory_space<hbm>>
      %dma_wait3A_378 = arith.constant 0 : i32
      %dma_wait3A_379 = tpu.memref_slice %arg3[%add3A_327, %mul3A_344, %dma_wait3A_378] : memref<32x80x2048xf32, #tpu.memory_space<hbm>> -> memref<1x8x2048xf32, #tpu.memory_space<hbm>>
      %dma_wait3A_380 = tpu.memref_squeeze %dma_wait3A_379 : memref<1x8x2048xf32, #tpu.memory_space<hbm>> -> memref<8x2048xf32, #tpu.memory_space<hbm>>
      tpu.wait_dma2 semaphore(%arg12 : memref<!tpu.dma_semaphore, #tpu.memory_space<semaphore_mem>>) src(%dma_wait3A_380 : memref<8x2048xf32, #tpu.memory_space<hbm>>) dst(%arg8 : memref<8x2048xf32, #tpu.memory_space<vmem>>)
      %dma_wait3A_381 = arith.constant 0 : i32
      %dma_wait3A_382 = tpu.memref_slice %arg4[%add3A_327, %mul3A_344, %dma_wait3A_381] : memref<32x80x2048xf32, #tpu.memory_space<hbm>> -> memref<1x8x2048xf32, #tpu.memory_space<hbm>>
      %dma_wait3A_383 = tpu.memref_squeeze %dma_wait3A_382 : memref<1x8x2048xf32, #tpu.memory_space<hbm>> -> memref<8x2048xf32, #tpu.memory_space<hbm>>
      %dma_wait3A_384 = arith.constant 0 : i32
      %dma_wait3A_385 = tpu.memref_slice %arg4[%add3A_327, %mul3A_344, %dma_wait3A_384] : memref<32x80x2048xf32, #tpu.memory_space<hbm>> -> memref<1x8x2048xf32, #tpu.memory_space<hbm>>
      %dma_wait3A_386 = tpu.memref_squeeze %dma_wait3A_385 : memref<1x8x2048xf32, #tpu.memory_space<hbm>> -> memref<8x2048xf32, #tpu.memory_space<hbm>>
      tpu.wait_dma2 semaphore(%arg12 : memref<!tpu.dma_semaphore, #tpu.memory_space<semaphore_mem>>) src(%dma_wait3A_386 : memref<8x2048xf32, #tpu.memory_space<hbm>>) dst(%arg9 : memref<8x2048xf32, #tpu.memory_space<vmem>>)
      %dma_wait3A_387 = arith.constant 0 : i32
      %dma_wait3A_388 = tpu.memref_slice %arg5[%sub3A_363, %mul3A_344, %dma_wait3A_387] : memref<4x80x2048xf32, #tpu.memory_space<hbm>> -> memref<1x8x2048xf32, #tpu.memory_space<hbm>>
      %dma_wait3A_389 = tpu.memref_squeeze %dma_wait3A_388 : memref<1x8x2048xf32, #tpu.memory_space<hbm>> -> memref<8x2048xf32, #tpu.memory_space<hbm>>
      %dma_wait3A_390 = arith.constant 0 : i32
      %dma_wait3A_391 = tpu.memref_slice %arg5[%sub3A_363, %mul3A_344, %dma_wait3A_390] : memref<4x80x2048xf32, #tpu.memory_space<hbm>> -> memref<1x8x2048xf32, #tpu.memory_space<hbm>>
      %dma_wait3A_392 = tpu.memref_squeeze %dma_wait3A_391 : memref<1x8x2048xf32, #tpu.memory_space<hbm>> -> memref<8x2048xf32, #tpu.memory_space<hbm>>
      tpu.wait_dma2 semaphore(%arg12 : memref<!tpu.dma_semaphore, #tpu.memory_space<semaphore_mem>>) src(%dma_wait3A_392 : memref<8x2048xf32, #tpu.memory_space<hbm>>) dst(%arg10 : memref<8x2048xf32, #tpu.memory_space<vmem>>)
    } else {
    }
    %broadcast_in_dim3A_158 = arith.constant 0.000000e+00 : f32
    %broadcast_in_dim3A_159 = vector.broadcast %broadcast_in_dim3A_158 : f32 to vector<16xf32>
    %scan3A_160 = arith.constant 0 : i32
    %scan3A_161 = arith.constant 128 : i32
    %scan3A_162 = arith.addi %scan3A_160, %scan3A_161 : i32
    %scan3A_163 = arith.constant 1 : i32
    %scan3A_164:2 = scf.for %scan3A_310 = %scan3A_160 to %scan3A_162 step %scan3A_163 iter_args(%scan3A_311 = %broadcast_in_dim3A_159, %scan3A_312 = %broadcast_in_dim3A_159) -> (vector<16xf32>, vector<16xf32>)  : i32 {
      %mul3A_313 = arith.constant 16 : i32
      %mul3A_314 = arith.muli %scan3A_310, %mul3A_313 : i32
      %get3A = arith.constant 0 : i32
      %get3A_315 = arith.index_cast %get3A : i32 to index
      %get3A_316 = arith.index_cast %mul3A_314 : i32 to index
      %get3A_317 = tpu.vector_load %arg7[%get3A_315, %get3A_316] {strides = array<i32>} : memref<8x2048xf32, #tpu.memory_space<vmem>>, vector<1x16xf32>,
      %get3A_318 = vector.shape_cast %get3A_317 : vector<1x16xf32> to vector<16xf32>
      %get3A_319 = arith.constant 0 : i32
      %get3A_320 = arith.index_cast %get3A_319 : i32 to index
      %get3A_321 = arith.index_cast %mul3A_314 : i32 to index
      %get3A_322 = tpu.vector_load %arg10[%get3A_320, %get3A_321] {strides = array<i32>} : memref<8x2048xf32, #tpu.memory_space<vmem>>, vector<1x16xf32>,
      %get3A_323 = vector.shape_cast %get3A_322 : vector<1x16xf32> to vector<16xf32>
      %get3A_324 = arith.constant 0 : i32
      %get3A_325 = arith.index_cast %get3A_324 : i32 to index
      %get3A_326 = arith.index_cast %mul3A_314 : i32 to index
      %get3A_327 = tpu.vector_load %arg8[%get3A_325, %get3A_326] {strides = array<i32>} : memref<8x2048xf32, #tpu.memory_space<vmem>>, vector<1x16xf32>,
      %get3A_328 = vector.shape_cast %get3A_327 : vector<1x16xf32> to vector<16xf32>
      %sub3A = arith.subf %get3A_328, %get3A_318 : vector<16xf32>
      %abs3A = math.absf %sub3A : vector<16xf32>
      %mul3A_329 = arith.mulf %get3A_323, %abs3A : vector<16xf32>
      %add3A_330 = arith.addf %scan3A_311, %mul3A_329 : vector<16xf32>
      %get3A_331 = arith.constant 0 : i32
      %get3A_332 = arith.index_cast %get3A_331 : i32 to index
      %get3A_333 = arith.index_cast %mul3A_314 : i32 to index
      %get3A_334 = tpu.vector_load %arg9[%get3A_332, %get3A_333] {strides = array<i32>} : memref<8x2048xf32, #tpu.memory_space<vmem>>, vector<1x16xf32>,
      %get3A_335 = vector.shape_cast %get3A_334 : vector<1x16xf32> to vector<16xf32>
      %sub3A_336 = arith.subf %get3A_335, %get3A_318 : vector<16xf32>
      %abs3A_337 = math.absf %sub3A_336 : vector<16xf32>
      %mul3A_338 = arith.mulf %get3A_323, %abs3A_337 : vector<16xf32>
      %add3A_339 = arith.addf %scan3A_312, %mul3A_338 : vector<16xf32>
      scf.yield %add3A_330, %add3A_339 : vector<16xf32>, vector<16xf32>
    }
    %scan3A_165 = arith.constant 128 : i32
    %lt3A_166 = arith.constant 40 : i32
    %lt3A_167 = arith.cmpi slt, %add3A_152, %lt3A_166 : i32
    %convert_element_type3A_168 = arith.extui %lt3A_167 : i1 to i32
    %convert_element_type3A_169 = arith.sitofp %convert_element_type3A_168 : i32 to f32
    %mul3A_170 = vector.broadcast %convert_element_type3A_169 : f32 to vector<16xf32>
    %mul3A_171 = arith.mulf %scan3A_164#0, %mul3A_170 : vector<16xf32>
    %add3A_172 = arith.addf %add3A_147, %mul3A_171 : vector<16xf32>
    %mul3A_173 = vector.broadcast %convert_element_type3A_169 : f32 to vector<16xf32>
    %mul3A_174 = arith.mulf %scan3A_164#1, %mul3A_173 : vector<16xf32>
    %add3A_175 = arith.addf %add3A_150, %mul3A_174 : vector<16xf32>
    %broadcast_in_dim3A_176 = arith.constant 0.000000e+00 : f32
    %broadcast_in_dim3A_177 = vector.broadcast %broadcast_in_dim3A_176 : f32 to vector<16xf32>
    %scan3A_178 = arith.constant 0 : i32
    %scan3A_179 = arith.constant 128 : i32
    %scan3A_180 = arith.addi %scan3A_178, %scan3A_179 : i32
    %scan3A_181 = arith.constant 1 : i32
    %scan3A_182:2 = scf.for %scan3A_310 = %scan3A_178 to %scan3A_180 step %scan3A_181 iter_args(%scan3A_311 = %broadcast_in_dim3A_177, %scan3A_312 = %broadcast_in_dim3A_177) -> (vector<16xf32>, vector<16xf32>)  : i32 {
      %mul3A_313 = arith.constant 16 : i32
      %mul3A_314 = arith.muli %scan3A_310, %mul3A_313 : i32
      %get3A = arith.constant 1 : i32
      %get3A_315 = arith.index_cast %get3A : i32 to index
      %get3A_316 = arith.index_cast %mul3A_314 : i32 to index
      %get3A_317 = tpu.vector_load %arg7[%get3A_315, %get3A_316] {strides = array<i32>} : memref<8x2048xf32, #tpu.memory_space<vmem>>, vector<1x16xf32>,
      %get3A_318 = vector.shape_cast %get3A_317 : vector<1x16xf32> to vector<16xf32>
      %get3A_319 = arith.constant 1 : i32
      %get3A_320 = arith.index_cast %get3A_319 : i32 to index
      %get3A_321 = arith.index_cast %mul3A_314 : i32 to index
      %get3A_322 = tpu.vector_load %arg10[%get3A_320, %get3A_321] {strides = array<i32>} : memref<8x2048xf32, #tpu.memory_space<vmem>>, vector<1x16xf32>,
      %get3A_323 = vector.shape_cast %get3A_322 : vector<1x16xf32> to vector<16xf32>
      %get3A_324 = arith.constant 1 : i32
      %get3A_325 = arith.index_cast %get3A_324 : i32 to index
      %get3A_326 = arith.index_cast %mul3A_314 : i32 to index
      %get3A_327 = tpu.vector_load %arg8[%get3A_325, %get3A_326] {strides = array<i32>} : memref<8x2048xf32, #tpu.memory_space<vmem>>, vector<1x16xf32>,
      %get3A_328 = vector.shape_cast %get3A_327 : vector<1x16xf32> to vector<16xf32>
      %sub3A = arith.subf %get3A_328, %get3A_318 : vector<16xf32>
      %abs3A = math.absf %sub3A : vector<16xf32>
      %mul3A_329 = arith.mulf %get3A_323, %abs3A : vector<16xf32>
      %add3A_330 = arith.addf %scan3A_311, %mul3A_329 : vector<16xf32>
      %get3A_331 = arith.constant 1 : i32
      %get3A_332 = arith.index_cast %get3A_331 : i32 to index
      %get3A_333 = arith.index_cast %mul3A_314 : i32 to index
      %get3A_334 = tpu.vector_load %arg9[%get3A_332, %get3A_333] {strides = array<i32>} : memref<8x2048xf32, #tpu.memory_space<vmem>>, vector<1x16xf32>,
      %get3A_335 = vector.shape_cast %get3A_334 : vector<1x16xf32> to vector<16xf32>
      %sub3A_336 = arith.subf %get3A_335, %get3A_318 : vector<16xf32>
      %abs3A_337 = math.absf %sub3A_336 : vector<16xf32>
      %mul3A_338 = arith.mulf %get3A_323, %abs3A_337 : vector<16xf32>
      %add3A_339 = arith.addf %scan3A_312, %mul3A_338 : vector<16xf32>
      scf.yield %add3A_330, %add3A_339 : vector<16xf32>, vector<16xf32>
    }
    %scan3A_183 = arith.constant 128 : i32
    %lt3A_184 = arith.constant 40 : i32
    %lt3A_185 = arith.cmpi slt, %add3A_152, %lt3A_184 : i32
    %convert_element_type3A_186 = arith.extui %lt3A_185 : i1 to i32
    %convert_element_type3A_187 = arith.sitofp %convert_element_type3A_186 : i32 to f32
    %mul3A_188 = vector.broadcast %convert_element_type3A_187 : f32 to vector<16xf32>
    %mul3A_189 = arith.mulf %scan3A_182#0, %mul3A_188 : vector<16xf32>
    %add3A_190 = arith.addf %add3A_172, %mul3A_189 : vector<16xf32>
    %mul3A_191 = vector.broadcast %convert_element_type3A_187 : f32 to vector<16xf32>
    %mul3A_192 = arith.mulf %scan3A_182#1, %mul3A_191 : vector<16xf32>
    %add3A_193 = arith.addf %add3A_175, %mul3A_192 : vector<16xf32>
    %broadcast_in_dim3A_194 = arith.constant 0.000000e+00 : f32
    %broadcast_in_dim3A_195 = vector.broadcast %broadcast_in_dim3A_194 : f32 to vector<16xf32>
    %scan3A_196 = arith.constant 0 : i32
    %scan3A_197 = arith.constant 128 : i32
    %scan3A_198 = arith.addi %scan3A_196, %scan3A_197 : i32
    %scan3A_199 = arith.constant 1 : i32
    %scan3A_200:2 = scf.for %scan3A_310 = %scan3A_196 to %scan3A_198 step %scan3A_199 iter_args(%scan3A_311 = %broadcast_in_dim3A_195, %scan3A_312 = %broadcast_in_dim3A_195) -> (vector<16xf32>, vector<16xf32>)  : i32 {
      %mul3A_313 = arith.constant 16 : i32
      %mul3A_314 = arith.muli %scan3A_310, %mul3A_313 : i32
      %get3A = arith.constant 2 : i32
      %get3A_315 = arith.index_cast %get3A : i32 to index
      %get3A_316 = arith.index_cast %mul3A_314 : i32 to index
      %get3A_317 = tpu.vector_load %arg7[%get3A_315, %get3A_316] {strides = array<i32>} : memref<8x2048xf32, #tpu.memory_space<vmem>>, vector<1x16xf32>,
      %get3A_318 = vector.shape_cast %get3A_317 : vector<1x16xf32> to vector<16xf32>
      %get3A_319 = arith.constant 2 : i32
      %get3A_320 = arith.index_cast %get3A_319 : i32 to index
      %get3A_321 = arith.index_cast %mul3A_314 : i32 to index
      %get3A_322 = tpu.vector_load %arg10[%get3A_320, %get3A_321] {strides = array<i32>} : memref<8x2048xf32, #tpu.memory_space<vmem>>, vector<1x16xf32>,
      %get3A_323 = vector.shape_cast %get3A_322 : vector<1x16xf32> to vector<16xf32>
      %get3A_324 = arith.constant 2 : i32
      %get3A_325 = arith.index_cast %get3A_324 : i32 to index
      %get3A_326 = arith.index_cast %mul3A_314 : i32 to index
      %get3A_327 = tpu.vector_load %arg8[%get3A_325, %get3A_326] {strides = array<i32>} : memref<8x2048xf32, #tpu.memory_space<vmem>>, vector<1x16xf32>,
      %get3A_328 = vector.shape_cast %get3A_327 : vector<1x16xf32> to vector<16xf32>
      %sub3A = arith.subf %get3A_328, %get3A_318 : vector<16xf32>
      %abs3A = math.absf %sub3A : vector<16xf32>
      %mul3A_329 = arith.mulf %get3A_323, %abs3A : vector<16xf32>
      %add3A_330 = arith.addf %scan3A_311, %mul3A_329 : vector<16xf32>
      %get3A_331 = arith.constant 2 : i32
      %get3A_332 = arith.index_cast %get3A_331 : i32 to index
      %get3A_333 = arith.index_cast %mul3A_314 : i32 to index
      %get3A_334 = tpu.vector_load %arg9[%get3A_332, %get3A_333] {strides = array<i32>} : memref<8x2048xf32, #tpu.memory_space<vmem>>, vector<1x16xf32>,
      %get3A_335 = vector.shape_cast %get3A_334 : vector<1x16xf32> to vector<16xf32>
      %sub3A_336 = arith.subf %get3A_335, %get3A_318 : vector<16xf32>
      %abs3A_337 = math.absf %sub3A_336 : vector<16xf32>
      %mul3A_338 = arith.mulf %get3A_323, %abs3A_337 : vector<16xf32>
      %add3A_339 = arith.addf %scan3A_312, %mul3A_338 : vector<16xf32>
      scf.yield %add3A_330, %add3A_339 : vector<16xf32>, vector<16xf32>
    }
    %scan3A_201 = arith.constant 128 : i32
    %lt3A_202 = arith.constant 40 : i32
    %lt3A_203 = arith.cmpi slt, %add3A_152, %lt3A_202 : i32
    %convert_element_type3A_204 = arith.extui %lt3A_203 : i1 to i32
    %convert_element_type3A_205 = arith.sitofp %convert_element_type3A_204 : i32 to f32
    %mul3A_206 = vector.broadcast %convert_element_type3A_205 : f32 to vector<16xf32>
    %mul3A_207 = arith.mulf %scan3A_200#0, %mul3A_206 : vector<16xf32>
    %add3A_208 = arith.addf %add3A_190, %mul3A_207 : vector<16xf32>
    %mul3A_209 = vector.broadcast %convert_element_type3A_205 : f32 to vector<16xf32>
    %mul3A_210 = arith.mulf %scan3A_200#1, %mul3A_209 : vector<16xf32>
    %add3A_211 = arith.addf %add3A_193, %mul3A_210 : vector<16xf32>
    %broadcast_in_dim3A_212 = arith.constant 0.000000e+00 : f32
    %broadcast_in_dim3A_213 = vector.broadcast %broadcast_in_dim3A_212 : f32 to vector<16xf32>
    %scan3A_214 = arith.constant 0 : i32
    %scan3A_215 = arith.constant 128 : i32
    %scan3A_216 = arith.addi %scan3A_214, %scan3A_215 : i32
    %scan3A_217 = arith.constant 1 : i32
    %scan3A_218:2 = scf.for %scan3A_310 = %scan3A_214 to %scan3A_216 step %scan3A_217 iter_args(%scan3A_311 = %broadcast_in_dim3A_213, %scan3A_312 = %broadcast_in_dim3A_213) -> (vector<16xf32>, vector<16xf32>)  : i32 {
      %mul3A_313 = arith.constant 16 : i32
      %mul3A_314 = arith.muli %scan3A_310, %mul3A_313 : i32
      %get3A = arith.constant 3 : i32
      %get3A_315 = arith.index_cast %get3A : i32 to index
      %get3A_316 = arith.index_cast %mul3A_314 : i32 to index
      %get3A_317 = tpu.vector_load %arg7[%get3A_315, %get3A_316] {strides = array<i32>} : memref<8x2048xf32, #tpu.memory_space<vmem>>, vector<1x16xf32>,
      %get3A_318 = vector.shape_cast %get3A_317 : vector<1x16xf32> to vector<16xf32>
      %get3A_319 = arith.constant 3 : i32
      %get3A_320 = arith.index_cast %get3A_319 : i32 to index
      %get3A_321 = arith.index_cast %mul3A_314 : i32 to index
      %get3A_322 = tpu.vector_load %arg10[%get3A_320, %get3A_321] {strides = array<i32>} : memref<8x2048xf32, #tpu.memory_space<vmem>>, vector<1x16xf32>,
      %get3A_323 = vector.shape_cast %get3A_322 : vector<1x16xf32> to vector<16xf32>
      %get3A_324 = arith.constant 3 : i32
      %get3A_325 = arith.index_cast %get3A_324 : i32 to index
      %get3A_326 = arith.index_cast %mul3A_314 : i32 to index
      %get3A_327 = tpu.vector_load %arg8[%get3A_325, %get3A_326] {strides = array<i32>} : memref<8x2048xf32, #tpu.memory_space<vmem>>, vector<1x16xf32>,
      %get3A_328 = vector.shape_cast %get3A_327 : vector<1x16xf32> to vector<16xf32>
      %sub3A = arith.subf %get3A_328, %get3A_318 : vector<16xf32>
      %abs3A = math.absf %sub3A : vector<16xf32>
      %mul3A_329 = arith.mulf %get3A_323, %abs3A : vector<16xf32>
      %add3A_330 = arith.addf %scan3A_311, %mul3A_329 : vector<16xf32>
      %get3A_331 = arith.constant 3 : i32
      %get3A_332 = arith.index_cast %get3A_331 : i32 to index
      %get3A_333 = arith.index_cast %mul3A_314 : i32 to index
      %get3A_334 = tpu.vector_load %arg9[%get3A_332, %get3A_333] {strides = array<i32>} : memref<8x2048xf32, #tpu.memory_space<vmem>>, vector<1x16xf32>,
      %get3A_335 = vector.shape_cast %get3A_334 : vector<1x16xf32> to vector<16xf32>
      %sub3A_336 = arith.subf %get3A_335, %get3A_318 : vector<16xf32>
      %abs3A_337 = math.absf %sub3A_336 : vector<16xf32>
      %mul3A_338 = arith.mulf %get3A_323, %abs3A_337 : vector<16xf32>
      %add3A_339 = arith.addf %scan3A_312, %mul3A_338 : vector<16xf32>
      scf.yield %add3A_330, %add3A_339 : vector<16xf32>, vector<16xf32>
    }
    %scan3A_219 = arith.constant 128 : i32
    %lt3A_220 = arith.constant 40 : i32
    %lt3A_221 = arith.cmpi slt, %add3A_152, %lt3A_220 : i32
    %convert_element_type3A_222 = arith.extui %lt3A_221 : i1 to i32
    %convert_element_type3A_223 = arith.sitofp %convert_element_type3A_222 : i32 to f32
    %mul3A_224 = vector.broadcast %convert_element_type3A_223 : f32 to vector<16xf32>
    %mul3A_225 = arith.mulf %scan3A_218#0, %mul3A_224 : vector<16xf32>
    %add3A_226 = arith.addf %add3A_208, %mul3A_225 : vector<16xf32>
    %mul3A_227 = vector.broadcast %convert_element_type3A_223 : f32 to vector<16xf32>
    %mul3A_228 = arith.mulf %scan3A_218#1, %mul3A_227 : vector<16xf32>
    %add3A_229 = arith.addf %add3A_211, %mul3A_228 : vector<16xf32>
    %broadcast_in_dim3A_230 = arith.constant 0.000000e+00 : f32
    %broadcast_in_dim3A_231 = vector.broadcast %broadcast_in_dim3A_230 : f32 to vector<16xf32>
    %scan3A_232 = arith.constant 0 : i32
    %scan3A_233 = arith.constant 128 : i32
    %scan3A_234 = arith.addi %scan3A_232, %scan3A_233 : i32
    %scan3A_235 = arith.constant 1 : i32
    %scan3A_236:2 = scf.for %scan3A_310 = %scan3A_232 to %scan3A_234 step %scan3A_235 iter_args(%scan3A_311 = %broadcast_in_dim3A_231, %scan3A_312 = %broadcast_in_dim3A_231) -> (vector<16xf32>, vector<16xf32>)  : i32 {
      %mul3A_313 = arith.constant 16 : i32
      %mul3A_314 = arith.muli %scan3A_310, %mul3A_313 : i32
      %get3A = arith.constant 4 : i32
      %get3A_315 = arith.index_cast %get3A : i32 to index
      %get3A_316 = arith.index_cast %mul3A_314 : i32 to index
      %get3A_317 = tpu.vector_load %arg7[%get3A_315, %get3A_316] {strides = array<i32>} : memref<8x2048xf32, #tpu.memory_space<vmem>>, vector<1x16xf32>,
      %get3A_318 = vector.shape_cast %get3A_317 : vector<1x16xf32> to vector<16xf32>
      %get3A_319 = arith.constant 4 : i32
      %get3A_320 = arith.index_cast %get3A_319 : i32 to index
      %get3A_321 = arith.index_cast %mul3A_314 : i32 to index
      %get3A_322 = tpu.vector_load %arg10[%get3A_320, %get3A_321] {strides = array<i32>} : memref<8x2048xf32, #tpu.memory_space<vmem>>, vector<1x16xf32>,
      %get3A_323 = vector.shape_cast %get3A_322 : vector<1x16xf32> to vector<16xf32>
      %get3A_324 = arith.constant 4 : i32
      %get3A_325 = arith.index_cast %get3A_324 : i32 to index
      %get3A_326 = arith.index_cast %mul3A_314 : i32 to index
      %get3A_327 = tpu.vector_load %arg8[%get3A_325, %get3A_326] {strides = array<i32>} : memref<8x2048xf32, #tpu.memory_space<vmem>>, vector<1x16xf32>,
      %get3A_328 = vector.shape_cast %get3A_327 : vector<1x16xf32> to vector<16xf32>
      %sub3A = arith.subf %get3A_328, %get3A_318 : vector<16xf32>
      %abs3A = math.absf %sub3A : vector<16xf32>
      %mul3A_329 = arith.mulf %get3A_323, %abs3A : vector<16xf32>
      %add3A_330 = arith.addf %scan3A_311, %mul3A_329 : vector<16xf32>
      %get3A_331 = arith.constant 4 : i32
      %get3A_332 = arith.index_cast %get3A_331 : i32 to index
      %get3A_333 = arith.index_cast %mul3A_314 : i32 to index
      %get3A_334 = tpu.vector_load %arg9[%get3A_332, %get3A_333] {strides = array<i32>} : memref<8x2048xf32, #tpu.memory_space<vmem>>, vector<1x16xf32>,
      %get3A_335 = vector.shape_cast %get3A_334 : vector<1x16xf32> to vector<16xf32>
      %sub3A_336 = arith.subf %get3A_335, %get3A_318 : vector<16xf32>
      %abs3A_337 = math.absf %sub3A_336 : vector<16xf32>
      %mul3A_338 = arith.mulf %get3A_323, %abs3A_337 : vector<16xf32>
      %add3A_339 = arith.addf %scan3A_312, %mul3A_338 : vector<16xf32>
      scf.yield %add3A_330, %add3A_339 : vector<16xf32>, vector<16xf32>
    }
    %scan3A_237 = arith.constant 128 : i32
    %lt3A_238 = arith.constant 40 : i32
    %lt3A_239 = arith.cmpi slt, %add3A_152, %lt3A_238 : i32
    %convert_element_type3A_240 = arith.extui %lt3A_239 : i1 to i32
    %convert_element_type3A_241 = arith.sitofp %convert_element_type3A_240 : i32 to f32
    %mul3A_242 = vector.broadcast %convert_element_type3A_241 : f32 to vector<16xf32>
    %mul3A_243 = arith.mulf %scan3A_236#0, %mul3A_242 : vector<16xf32>
    %add3A_244 = arith.addf %add3A_226, %mul3A_243 : vector<16xf32>
    %mul3A_245 = vector.broadcast %convert_element_type3A_241 : f32 to vector<16xf32>
    %mul3A_246 = arith.mulf %scan3A_236#1, %mul3A_245 : vector<16xf32>
    %add3A_247 = arith.addf %add3A_229, %mul3A_246 : vector<16xf32>
    %broadcast_in_dim3A_248 = arith.constant 0.000000e+00 : f32
    %broadcast_in_dim3A_249 = vector.broadcast %broadcast_in_dim3A_248 : f32 to vector<16xf32>
    %scan3A_250 = arith.constant 0 : i32
    %scan3A_251 = arith.constant 128 : i32
    %scan3A_252 = arith.addi %scan3A_250, %scan3A_251 : i32
    %scan3A_253 = arith.constant 1 : i32
    %scan3A_254:2 = scf.for %scan3A_310 = %scan3A_250 to %scan3A_252 step %scan3A_253 iter_args(%scan3A_311 = %broadcast_in_dim3A_249, %scan3A_312 = %broadcast_in_dim3A_249) -> (vector<16xf32>, vector<16xf32>)  : i32 {
      %mul3A_313 = arith.constant 16 : i32
      %mul3A_314 = arith.muli %scan3A_310, %mul3A_313 : i32
      %get3A = arith.constant 5 : i32
      %get3A_315 = arith.index_cast %get3A : i32 to index
      %get3A_316 = arith.index_cast %mul3A_314 : i32 to index
      %get3A_317 = tpu.vector_load %arg7[%get3A_315, %get3A_316] {strides = array<i32>} : memref<8x2048xf32, #tpu.memory_space<vmem>>, vector<1x16xf32>,
      %get3A_318 = vector.shape_cast %get3A_317 : vector<1x16xf32> to vector<16xf32>
      %get3A_319 = arith.constant 5 : i32
      %get3A_320 = arith.index_cast %get3A_319 : i32 to index
      %get3A_321 = arith.index_cast %mul3A_314 : i32 to index
      %get3A_322 = tpu.vector_load %arg10[%get3A_320, %get3A_321] {strides = array<i32>} : memref<8x2048xf32, #tpu.memory_space<vmem>>, vector<1x16xf32>,
      %get3A_323 = vector.shape_cast %get3A_322 : vector<1x16xf32> to vector<16xf32>
      %get3A_324 = arith.constant 5 : i32
      %get3A_325 = arith.index_cast %get3A_324 : i32 to index
      %get3A_326 = arith.index_cast %mul3A_314 : i32 to index
      %get3A_327 = tpu.vector_load %arg8[%get3A_325, %get3A_326] {strides = array<i32>} : memref<8x2048xf32, #tpu.memory_space<vmem>>, vector<1x16xf32>,
      %get3A_328 = vector.shape_cast %get3A_327 : vector<1x16xf32> to vector<16xf32>
      %sub3A = arith.subf %get3A_328, %get3A_318 : vector<16xf32>
      %abs3A = math.absf %sub3A : vector<16xf32>
      %mul3A_329 = arith.mulf %get3A_323, %abs3A : vector<16xf32>
      %add3A_330 = arith.addf %scan3A_311, %mul3A_329 : vector<16xf32>
      %get3A_331 = arith.constant 5 : i32
      %get3A_332 = arith.index_cast %get3A_331 : i32 to index
      %get3A_333 = arith.index_cast %mul3A_314 : i32 to index
      %get3A_334 = tpu.vector_load %arg9[%get3A_332, %get3A_333] {strides = array<i32>} : memref<8x2048xf32, #tpu.memory_space<vmem>>, vector<1x16xf32>,
      %get3A_335 = vector.shape_cast %get3A_334 : vector<1x16xf32> to vector<16xf32>
      %sub3A_336 = arith.subf %get3A_335, %get3A_318 : vector<16xf32>
      %abs3A_337 = math.absf %sub3A_336 : vector<16xf32>
      %mul3A_338 = arith.mulf %get3A_323, %abs3A_337 : vector<16xf32>
      %add3A_339 = arith.addf %scan3A_312, %mul3A_338 : vector<16xf32>
      scf.yield %add3A_330, %add3A_339 : vector<16xf32>, vector<16xf32>
    }
    %scan3A_255 = arith.constant 128 : i32
    %lt3A_256 = arith.constant 40 : i32
    %lt3A_257 = arith.cmpi slt, %add3A_152, %lt3A_256 : i32
    %convert_element_type3A_258 = arith.extui %lt3A_257 : i1 to i32
    %convert_element_type3A_259 = arith.sitofp %convert_element_type3A_258 : i32 to f32
    %mul3A_260 = vector.broadcast %convert_element_type3A_259 : f32 to vector<16xf32>
    %mul3A_261 = arith.mulf %scan3A_254#0, %mul3A_260 : vector<16xf32>
    %add3A_262 = arith.addf %add3A_244, %mul3A_261 : vector<16xf32>
    %mul3A_263 = vector.broadcast %convert_element_type3A_259 : f32 to vector<16xf32>
    %mul3A_264 = arith.mulf %scan3A_254#1, %mul3A_263 : vector<16xf32>
    %add3A_265 = arith.addf %add3A_247, %mul3A_264 : vector<16xf32>
    %broadcast_in_dim3A_266 = arith.constant 0.000000e+00 : f32
    %broadcast_in_dim3A_267 = vector.broadcast %broadcast_in_dim3A_266 : f32 to vector<16xf32>
    %scan3A_268 = arith.constant 0 : i32
    %scan3A_269 = arith.constant 128 : i32
    %scan3A_270 = arith.addi %scan3A_268, %scan3A_269 : i32
    %scan3A_271 = arith.constant 1 : i32
    %scan3A_272:2 = scf.for %scan3A_310 = %scan3A_268 to %scan3A_270 step %scan3A_271 iter_args(%scan3A_311 = %broadcast_in_dim3A_267, %scan3A_312 = %broadcast_in_dim3A_267) -> (vector<16xf32>, vector<16xf32>)  : i32 {
      %mul3A_313 = arith.constant 16 : i32
      %mul3A_314 = arith.muli %scan3A_310, %mul3A_313 : i32
      %get3A = arith.constant 6 : i32
      %get3A_315 = arith.index_cast %get3A : i32 to index
      %get3A_316 = arith.index_cast %mul3A_314 : i32 to index
      %get3A_317 = tpu.vector_load %arg7[%get3A_315, %get3A_316] {strides = array<i32>} : memref<8x2048xf32, #tpu.memory_space<vmem>>, vector<1x16xf32>,
      %get3A_318 = vector.shape_cast %get3A_317 : vector<1x16xf32> to vector<16xf32>
      %get3A_319 = arith.constant 6 : i32
      %get3A_320 = arith.index_cast %get3A_319 : i32 to index
      %get3A_321 = arith.index_cast %mul3A_314 : i32 to index
      %get3A_322 = tpu.vector_load %arg10[%get3A_320, %get3A_321] {strides = array<i32>} : memref<8x2048xf32, #tpu.memory_space<vmem>>, vector<1x16xf32>,
      %get3A_323 = vector.shape_cast %get3A_322 : vector<1x16xf32> to vector<16xf32>
      %get3A_324 = arith.constant 6 : i32
      %get3A_325 = arith.index_cast %get3A_324 : i32 to index
      %get3A_326 = arith.index_cast %mul3A_314 : i32 to index
      %get3A_327 = tpu.vector_load %arg8[%get3A_325, %get3A_326] {strides = array<i32>} : memref<8x2048xf32, #tpu.memory_space<vmem>>, vector<1x16xf32>,
      %get3A_328 = vector.shape_cast %get3A_327 : vector<1x16xf32> to vector<16xf32>
      %sub3A = arith.subf %get3A_328, %get3A_318 : vector<16xf32>
      %abs3A = math.absf %sub3A : vector<16xf32>
      %mul3A_329 = arith.mulf %get3A_323, %abs3A : vector<16xf32>
      %add3A_330 = arith.addf %scan3A_311, %mul3A_329 : vector<16xf32>
      %get3A_331 = arith.constant 6 : i32
      %get3A_332 = arith.index_cast %get3A_331 : i32 to index
      %get3A_333 = arith.index_cast %mul3A_314 : i32 to index
      %get3A_334 = tpu.vector_load %arg9[%get3A_332, %get3A_333] {strides = array<i32>} : memref<8x2048xf32, #tpu.memory_space<vmem>>, vector<1x16xf32>,
      %get3A_335 = vector.shape_cast %get3A_334 : vector<1x16xf32> to vector<16xf32>
      %sub3A_336 = arith.subf %get3A_335, %get3A_318 : vector<16xf32>
      %abs3A_337 = math.absf %sub3A_336 : vector<16xf32>
      %mul3A_338 = arith.mulf %get3A_323, %abs3A_337 : vector<16xf32>
      %add3A_339 = arith.addf %scan3A_312, %mul3A_338 : vector<16xf32>
      scf.yield %add3A_330, %add3A_339 : vector<16xf32>, vector<16xf32>
    }
    %scan3A_273 = arith.constant 128 : i32
    %lt3A_274 = arith.constant 40 : i32
    %lt3A_275 = arith.cmpi slt, %add3A_152, %lt3A_274 : i32
    %convert_element_type3A_276 = arith.extui %lt3A_275 : i1 to i32
    %convert_element_type3A_277 = arith.sitofp %convert_element_type3A_276 : i32 to f32
    %mul3A_278 = vector.broadcast %convert_element_type3A_277 : f32 to vector<16xf32>
    %mul3A_279 = arith.mulf %scan3A_272#0, %mul3A_278 : vector<16xf32>
    %add3A_280 = arith.addf %add3A_262, %mul3A_279 : vector<16xf32>
    %mul3A_281 = vector.broadcast %convert_element_type3A_277 : f32 to vector<16xf32>
    %mul3A_282 = arith.mulf %scan3A_272#1, %mul3A_281 : vector<16xf32>
    %add3A_283 = arith.addf %add3A_265, %mul3A_282 : vector<16xf32>
    %broadcast_in_dim3A_284 = arith.constant 0.000000e+00 : f32
    %broadcast_in_dim3A_285 = vector.broadcast %broadcast_in_dim3A_284 : f32 to vector<16xf32>
    %scan3A_286 = arith.constant 0 : i32
    %scan3A_287 = arith.constant 128 : i32
    %scan3A_288 = arith.addi %scan3A_286, %scan3A_287 : i32
    %scan3A_289 = arith.constant 1 : i32
    %scan3A_290:2 = scf.for %scan3A_310 = %scan3A_286 to %scan3A_288 step %scan3A_289 iter_args(%scan3A_311 = %broadcast_in_dim3A_285, %scan3A_312 = %broadcast_in_dim3A_285) -> (vector<16xf32>, vector<16xf32>)  : i32 {
      %mul3A_313 = arith.constant 16 : i32
      %mul3A_314 = arith.muli %scan3A_310, %mul3A_313 : i32
      %get3A = arith.constant 7 : i32
      %get3A_315 = arith.index_cast %get3A : i32 to index
      %get3A_316 = arith.index_cast %mul3A_314 : i32 to index
      %get3A_317 = tpu.vector_load %arg7[%get3A_315, %get3A_316] {strides = array<i32>} : memref<8x2048xf32, #tpu.memory_space<vmem>>, vector<1x16xf32>,
      %get3A_318 = vector.shape_cast %get3A_317 : vector<1x16xf32> to vector<16xf32>
      %get3A_319 = arith.constant 7 : i32
      %get3A_320 = arith.index_cast %get3A_319 : i32 to index
      %get3A_321 = arith.index_cast %mul3A_314 : i32 to index
      %get3A_322 = tpu.vector_load %arg10[%get3A_320, %get3A_321] {strides = array<i32>} : memref<8x2048xf32, #tpu.memory_space<vmem>>, vector<1x16xf32>,
      %get3A_323 = vector.shape_cast %get3A_322 : vector<1x16xf32> to vector<16xf32>
      %get3A_324 = arith.constant 7 : i32
      %get3A_325 = arith.index_cast %get3A_324 : i32 to index
      %get3A_326 = arith.index_cast %mul3A_314 : i32 to index
      %get3A_327 = tpu.vector_load %arg8[%get3A_325, %get3A_326] {strides = array<i32>} : memref<8x2048xf32, #tpu.memory_space<vmem>>, vector<1x16xf32>,
      %get3A_328 = vector.shape_cast %get3A_327 : vector<1x16xf32> to vector<16xf32>
      %sub3A = arith.subf %get3A_328, %get3A_318 : vector<16xf32>
      %abs3A = math.absf %sub3A : vector<16xf32>
      %mul3A_329 = arith.mulf %get3A_323, %abs3A : vector<16xf32>
      %add3A_330 = arith.addf %scan3A_311, %mul3A_329 : vector<16xf32>
      %get3A_331 = arith.constant 7 : i32
      %get3A_332 = arith.index_cast %get3A_331 : i32 to index
      %get3A_333 = arith.index_cast %mul3A_314 : i32 to index
      %get3A_334 = tpu.vector_load %arg9[%get3A_332, %get3A_333] {strides = array<i32>} : memref<8x2048xf32, #tpu.memory_space<vmem>>, vector<1x16xf32>,
      %get3A_335 = vector.shape_cast %get3A_334 : vector<1x16xf32> to vector<16xf32>
      %sub3A_336 = arith.subf %get3A_335, %get3A_318 : vector<16xf32>
      %abs3A_337 = math.absf %sub3A_336 : vector<16xf32>
      %mul3A_338 = arith.mulf %get3A_323, %abs3A_337 : vector<16xf32>
      %add3A_339 = arith.addf %scan3A_312, %mul3A_338 : vector<16xf32>
      scf.yield %add3A_330, %add3A_339 : vector<16xf32>, vector<16xf32>
    }
    %scan3A_291 = arith.constant 128 : i32
    %lt3A_292 = arith.constant 40 : i32
    %lt3A_293 = arith.cmpi slt, %add3A_152, %lt3A_292 : i32
    %convert_element_type3A_294 = arith.extui %lt3A_293 : i1 to i32
    %convert_element_type3A_295 = arith.sitofp %convert_element_type3A_294 : i32 to f32
    %mul3A_296 = vector.broadcast %convert_element_type3A_295 : f32 to vector<16xf32>
    %mul3A_297 = arith.mulf %scan3A_290#0, %mul3A_296 : vector<16xf32>
    %add3A_298 = arith.addf %add3A_280, %mul3A_297 : vector<16xf32>
    %mul3A_299 = vector.broadcast %convert_element_type3A_295 : f32 to vector<16xf32>
    %mul3A_300 = arith.mulf %scan3A_290#1, %mul3A_299 : vector<16xf32>
    %add3A_301 = arith.addf %add3A_283, %mul3A_300 : vector<16xf32>
    %swap3A = arith.constant 0 : index
    %swap3A_302 = tpu.vector_load %arg11[%swap3A] {strides = array<i32>} : memref<16xf32, #tpu.memory_space<vmem>>, vector<16xf32>,
    %swap3A_303 = vector.shape_cast %swap3A_302 : vector<16xf32> to vector<16xf32>
    %swap3A_304 = vector.shape_cast %add3A_298 : vector<16xf32> to vector<16xf32>
    tpu.vector_store %arg11[%swap3A], %swap3A_304 {strides = array<i32>} : memref<16xf32, #tpu.memory_space<vmem>>, vector<16xf32>,
    %run_scoped3A = arith.constant 0 : i32
    "tpu.region"() ({
      %run_scoped3A_310 = tpu.sem_alloc : memref<!tpu.dma_semaphore, #tpu.memory_space<semaphore_mem>>
      %dma_start3A = arith.constant 0 : i32
      %dma_start3A_311 = tpu.memref_slice %arg6[%run_scoped3A, %add3A, %dma_start3A] : memref<2x32x16xf32, #tpu.memory_space<hbm>> -> memref<1x1x16xf32, #tpu.memory_space<hbm>>
      %dma_start3A_312 = tpu.memref_squeeze %dma_start3A_311 : memref<1x1x16xf32, #tpu.memory_space<hbm>> -> memref<16xf32, #tpu.memory_space<hbm>>
      %dma_start3A_313 = arith.constant 0 : i32
      %dma_start3A_314 = tpu.memref_slice %arg6[%run_scoped3A, %add3A, %dma_start3A_313] : memref<2x32x16xf32, #tpu.memory_space<hbm>> -> memref<1x1x16xf32, #tpu.memory_space<hbm>>
      %dma_start3A_315 = tpu.memref_squeeze %dma_start3A_314 : memref<1x1x16xf32, #tpu.memory_space<hbm>> -> memref<16xf32, #tpu.memory_space<hbm>>
      tpu.enqueue_dma source(%arg11 : memref<16xf32, #tpu.memory_space<vmem>>) target(%dma_start3A_315 : memref<16xf32, #tpu.memory_space<hbm>>) target_semaphore(%run_scoped3A_310 : memref<!tpu.dma_semaphore, #tpu.memory_space<semaphore_mem>>)
      %dma_wait3A = arith.constant 0 : i32
      %dma_wait3A_316 = tpu.memref_slice %arg6[%run_scoped3A, %add3A, %dma_wait3A] : memref<2x32x16xf32, #tpu.memory_space<hbm>> -> memref<1x1x16xf32, #tpu.memory_space<hbm>>
      %dma_wait3A_317 = tpu.memref_squeeze %dma_wait3A_316 : memref<1x1x16xf32, #tpu.memory_space<hbm>> -> memref<16xf32, #tpu.memory_space<hbm>>
      %dma_wait3A_318 = arith.constant 0 : i32
      %dma_wait3A_319 = tpu.memref_slice %arg6[%run_scoped3A, %add3A, %dma_wait3A_318] : memref<2x32x16xf32, #tpu.memory_space<hbm>> -> memref<1x1x16xf32, #tpu.memory_space<hbm>>
      %dma_wait3A_320 = tpu.memref_squeeze %dma_wait3A_319 : memref<1x1x16xf32, #tpu.memory_space<hbm>> -> memref<16xf32, #tpu.memory_space<hbm>>
      tpu.wait_dma2 semaphore(%run_scoped3A_310 : memref<!tpu.dma_semaphore, #tpu.memory_space<semaphore_mem>>) src(%arg11 : memref<16xf32, #tpu.memory_space<vmem>>) dst(%dma_wait3A_320 : memref<16xf32, #tpu.memory_space<hbm>>)
      tpu.yield
    }) : () -> ()
    %swap3A_305 = arith.constant 0 : index
    %swap3A_306 = tpu.vector_load %arg11[%swap3A_305] {strides = array<i32>} : memref<16xf32, #tpu.memory_space<vmem>>, vector<16xf32>,
    %swap3A_307 = vector.shape_cast %swap3A_306 : vector<16xf32> to vector<16xf32>
    %swap3A_308 = vector.shape_cast %add3A_301 : vector<16xf32> to vector<16xf32>
    tpu.vector_store %arg11[%swap3A_305], %swap3A_308 {strides = array<i32>} : memref<16xf32, #tpu.memory_space<vmem>>, vector<16xf32>,
    %run_scoped3A_309 = arith.constant 1 : i32
    "tpu.region"() ({
      %run_scoped3A_310 = tpu.sem_alloc : memref<!tpu.dma_semaphore, #tpu.memory_space<semaphore_mem>>
      %dma_start3A = arith.constant 0 : i32
      %dma_start3A_311 = tpu.memref_slice %arg6[%run_scoped3A_309, %add3A, %dma_start3A] : memref<2x32x16xf32, #tpu.memory_space<hbm>> -> memref<1x1x16xf32, #tpu.memory_space<hbm>>
      %dma_start3A_312 = tpu.memref_squeeze %dma_start3A_311 : memref<1x1x16xf32, #tpu.memory_space<hbm>> -> memref<16xf32, #tpu.memory_space<hbm>>
      %dma_start3A_313 = arith.constant 0 : i32
      %dma_start3A_314 = tpu.memref_slice %arg6[%run_scoped3A_309, %add3A, %dma_start3A_313] : memref<2x32x16xf32, #tpu.memory_space<hbm>> -> memref<1x1x16xf32, #tpu.memory_space<hbm>>
      %dma_start3A_315 = tpu.memref_squeeze %dma_start3A_314 : memref<1x1x16xf32, #tpu.memory_space<hbm>> -> memref<16xf32, #tpu.memory_space<hbm>>
      tpu.enqueue_dma source(%arg11 : memref<16xf32, #tpu.memory_space<vmem>>) target(%dma_start3A_315 : memref<16xf32, #tpu.memory_space<hbm>>) target_semaphore(%run_scoped3A_310 : memref<!tpu.dma_semaphore, #tpu.memory_space<semaphore_mem>>)
      %dma_wait3A = arith.constant 0 : i32
      %dma_wait3A_316 = tpu.memref_slice %arg6[%run_scoped3A_309, %add3A, %dma_wait3A] : memref<2x32x16xf32, #tpu.memory_space<hbm>> -> memref<1x1x16xf32, #tpu.memory_space<hbm>>
      %dma_wait3A_317 = tpu.memref_squeeze %dma_wait3A_316 : memref<1x1x16xf32, #tpu.memory_space<hbm>> -> memref<16xf32, #tpu.memory_space<hbm>>
      %dma_wait3A_318 = arith.constant 0 : i32
      %dma_wait3A_319 = tpu.memref_slice %arg6[%run_scoped3A_309, %add3A, %dma_wait3A_318] : memref<2x32x16xf32, #tpu.memory_space<hbm>> -> memref<1x1x16xf32, #tpu.memory_space<hbm>>
      %dma_wait3A_320 = tpu.memref_squeeze %dma_wait3A_319 : memref<1x1x16xf32, #tpu.memory_space<hbm>> -> memref<16xf32, #tpu.memory_space<hbm>>
      tpu.wait_dma2 semaphore(%run_scoped3A_310 : memref<!tpu.dma_semaphore, #tpu.memory_space<semaphore_mem>>) src(%arg11 : memref<16xf32, #tpu.memory_space<vmem>>) dst(%dma_wait3A_320 : memref<16xf32, #tpu.memory_space<hbm>>)
      tpu.yield
    }) : () -> ()
    return
  }
}

module attributes {stable_mosaic.version = 14 : i64} {
  func.func @_tc_body(%arg0: i32, %arg1: memref<4x80x2048xf32, #tpu.memory_space<vmem>>, %arg2: memref<4x80x2048xf32, #tpu.memory_space<vmem>>, %arg3: memref<4x80x2048xf32, #tpu.memory_space<vmem>>, %arg4: memref<32x2048xbf16, #tpu.memory_space<vmem>>, %arg5: memref<32x512xf32, #tpu.memory_space<vmem>>, %arg6: memref<32x512xf32, #tpu.memory_space<vmem>>, %arg7: memref<32x512xf32, #tpu.memory_space<vmem>>, %arg8: memref<32x512xf32, #tpu.memory_space<vmem>>, %arg9: memref<32x512xf32, #tpu.memory_space<vmem>>, %arg10: memref<32x512xi32, #tpu.memory_space<vmem>>, %arg11: memref<32x512xf32, #tpu.memory_space<vmem>>, %arg12: memref<32x512xf32, #tpu.memory_space<vmem>>, %arg13: memref<32x512xf32, #tpu.memory_space<vmem>>, %arg14: memref<8xf32, #tpu.memory_space<smem>>, %arg15: memref<1x2048xf32, #tpu.memory_space<vmem>>, %arg16: memref<1x2048xf32, #tpu.memory_space<vmem>>, %arg17: memref<8xf32, #tpu.memory_space<smem>>) attributes {dimension_semantics = [#tpu.dimension_semantics<arbitrary>], iteration_bounds = array<i64: 7>, scalar_prefetch = 0 : i64, scratch_operands = 3 : i64, tpu.core_type = #tpu.core_type<tc>, window_params = [{transform_indices = @transform_0, window_bounds = array<i64: 4, 80, 2048>}, {transform_indices = @transform_1, window_bounds = array<i64: 4, 80, 2048>}, {transform_indices = @transform_2, window_bounds = array<i64: 4, 80, 2048>}, {pipeline_mode = #tpu.pipeline_mode<synchronous>, transform_indices = @transform_3, window_bounds = array<i64: 32, 2048>}, {pipeline_mode = #tpu.pipeline_mode<synchronous>, transform_indices = @transform_4, window_bounds = array<i64: 32, 512>}, {pipeline_mode = #tpu.pipeline_mode<synchronous>, transform_indices = @transform_5, window_bounds = array<i64: 32, 512>}, {pipeline_mode = #tpu.pipeline_mode<synchronous>, transform_indices = @transform_6, window_bounds = array<i64: 32, 512>}, {pipeline_mode = #tpu.pipeline_mode<synchronous>, transform_indices = @transform_7, window_bounds = array<i64: 32, 512>}, {pipeline_mode = #tpu.pipeline_mode<synchronous>, transform_indices = @transform_8, window_bounds = array<i64: 32, 512>}, {pipeline_mode = #tpu.pipeline_mode<synchronous>, transform_indices = @transform_9, window_bounds = array<i64: 32, 512>}, {pipeline_mode = #tpu.pipeline_mode<synchronous>, transform_indices = @transform_10, window_bounds = array<i64: 32, 512>}, {pipeline_mode = #tpu.pipeline_mode<synchronous>, transform_indices = @transform_11, window_bounds = array<i64: 32, 512>}, {pipeline_mode = #tpu.pipeline_mode<synchronous>, transform_indices = @transform_12, window_bounds = array<i64: 32, 512>}, {transform_indices = @transform_13, window_bounds = array<i64: 8>}]} {
    %eq3A = arith.constant 0 : i32
    %eq3A_0 = arith.cmpi eq, %arg0, %eq3A : i32
    %convert_element_type3A = arith.extui %eq3A_0 : i1 to i32
    %cond3A = arith.constant 0 : i32
    %cond3A_1 = arith.cmpi ne, %convert_element_type3A, %cond3A : i32
    scf.if %cond3A_1 {
      %get3A_221 = arith.constant 0 : index
      %get3A_222 = arith.constant 0 : index
      %get3A_223 = vector.load %arg13[%get3A_221, %get3A_222] : memref<32x512xf32, #tpu.memory_space<vmem>>, vector<32x512xf32>
      %reduce_sum3A_224 = vector.shape_cast %get3A_223 : vector<32x512xf32> to vector<1x32x512xf32>
      %reduce_sum3A_225 = arith.constant dense<0.000000e+00> : vector<1xf32>
      %reduce_sum3A_226 = vector.multi_reduction <add>, %reduce_sum3A_224, %reduce_sum3A_225 [1, 2] : vector<1x32x512xf32> to vector<1xf32>
      %reduce_sum3A_227 = vector.shape_cast %reduce_sum3A_226 : vector<1xf32> to vector<1x1x1xf32>
      %reduce_sum3A_228 = vector.extract %reduce_sum3A_227[0, 0, 0] : f32 from vector<1x1x1xf32>
      %get3A_229 = arith.constant 0 : index
      %get3A_230 = arith.constant 0 : index
      %get3A_231 = vector.load %arg6[%get3A_229, %get3A_230] : memref<32x512xf32, #tpu.memory_space<vmem>>, vector<32x512xf32>
      %get3A_232 = arith.constant 0 : index
      %get3A_233 = arith.constant 0 : index
      %get3A_234 = vector.load %arg5[%get3A_232, %get3A_233] : memref<32x512xf32, #tpu.memory_space<vmem>>, vector<32x512xf32>
      %sub3A_235 = arith.subf %get3A_231, %get3A_234 : vector<32x512xf32>
      %integer_pow3A = arith.mulf %sub3A_235, %sub3A_235 : vector<32x512xf32>
      %mul3A_236 = arith.mulf %integer_pow3A, %get3A_223 : vector<32x512xf32>
      %reduce_sum3A_237 = vector.shape_cast %mul3A_236 : vector<32x512xf32> to vector<1x32x512xf32>
      %reduce_sum3A_238 = arith.constant dense<0.000000e+00> : vector<1xf32>
      %reduce_sum3A_239 = vector.multi_reduction <add>, %reduce_sum3A_237, %reduce_sum3A_238 [1, 2] : vector<1x32x512xf32> to vector<1xf32>
      %reduce_sum3A_240 = vector.shape_cast %reduce_sum3A_239 : vector<1xf32> to vector<1x1x1xf32>
      %reduce_sum3A_241 = vector.extract %reduce_sum3A_240[0, 0, 0] : f32 from vector<1x1x1xf32>
      %get3A_242 = arith.constant 0 : index
      %get3A_243 = arith.constant 0 : index
      %get3A_244 = vector.load %arg8[%get3A_242, %get3A_243] : memref<32x512xf32, #tpu.memory_space<vmem>>, vector<32x512xf32>
      %get3A_245 = arith.constant 0 : index
      %get3A_246 = arith.constant 0 : index
      %get3A_247 = vector.load %arg7[%get3A_245, %get3A_246] : memref<32x512xf32, #tpu.memory_space<vmem>>, vector<32x512xf32>
      %sub3A_248 = arith.subf %get3A_244, %get3A_247 : vector<32x512xf32>
      %integer_pow3A_249 = arith.mulf %sub3A_248, %sub3A_248 : vector<32x512xf32>
      %mul3A_250 = arith.mulf %integer_pow3A_249, %get3A_223 : vector<32x512xf32>
      %reduce_sum3A_251 = vector.shape_cast %mul3A_250 : vector<32x512xf32> to vector<1x32x512xf32>
      %reduce_sum3A_252 = arith.constant dense<0.000000e+00> : vector<1xf32>
      %reduce_sum3A_253 = vector.multi_reduction <add>, %reduce_sum3A_251, %reduce_sum3A_252 [1, 2] : vector<1x32x512xf32> to vector<1xf32>
      %reduce_sum3A_254 = vector.shape_cast %reduce_sum3A_253 : vector<1xf32> to vector<1x1x1xf32>
      %reduce_sum3A_255 = vector.extract %reduce_sum3A_254[0, 0, 0] : f32 from vector<1x1x1xf32>
      %get3A_256 = arith.constant 0 : index
      %get3A_257 = arith.constant 0 : index
      %get3A_258 = vector.load %arg10[%get3A_256, %get3A_257] : memref<32x512xi32, #tpu.memory_space<vmem>>, vector<32x512xi32>
      %convert_element_type3A_259 = arith.sitofp %get3A_258 : vector<32x512xi32> to vector<32x512xf32>
      %add3A_260 = arith.constant 1.000000e+00 : f32
      %add3A_261 = vector.broadcast %add3A_260 : f32 to vector<32x512xf32>
      %add3A_262 = arith.addf %convert_element_type3A_259, %add3A_261 : vector<32x512xf32>
      %log3A = math.log %add3A_262 : vector<32x512xf32>
      %get3A_263 = arith.constant 0 : index
      %get3A_264 = arith.constant 0 : index
      %get3A_265 = vector.load %arg9[%get3A_263, %get3A_264] : memref<32x512xf32, #tpu.memory_space<vmem>>, vector<32x512xf32>
      %sub3A_266 = arith.subf %get3A_265, %log3A : vector<32x512xf32>
      %integer_pow3A_267 = arith.mulf %sub3A_266, %sub3A_266 : vector<32x512xf32>
      %mul3A_268 = arith.mulf %integer_pow3A_267, %get3A_223 : vector<32x512xf32>
      %reduce_sum3A_269 = vector.shape_cast %mul3A_268 : vector<32x512xf32> to vector<1x32x512xf32>
      %reduce_sum3A_270 = arith.constant dense<0.000000e+00> : vector<1xf32>
      %reduce_sum3A_271 = vector.multi_reduction <add>, %reduce_sum3A_269, %reduce_sum3A_270 [1, 2] : vector<1x32x512xf32> to vector<1xf32>
      %reduce_sum3A_272 = vector.shape_cast %reduce_sum3A_271 : vector<1xf32> to vector<1x1x1xf32>
      %reduce_sum3A_273 = vector.extract %reduce_sum3A_272[0, 0, 0] : f32 from vector<1x1x1xf32>
      %get3A_274 = arith.constant 0 : index
      %get3A_275 = arith.constant 0 : index
      %get3A_276 = vector.load %arg12[%get3A_274, %get3A_275] : memref<32x512xf32, #tpu.memory_space<vmem>>, vector<32x512xf32>
      %get3A_277 = arith.constant 0 : index
      %get3A_278 = arith.constant 0 : index
      %get3A_279 = vector.load %arg11[%get3A_277, %get3A_278] : memref<32x512xf32, #tpu.memory_space<vmem>>, vector<32x512xf32>
      %sub3A_280 = arith.subf %get3A_276, %get3A_279 : vector<32x512xf32>
      %mul3A_281 = arith.mulf %sub3A_280, %sub3A_280 : vector<32x512xf32>
      %reduce_sum3A_282 = vector.shape_cast %mul3A_281 : vector<32x512xf32> to vector<1x32x512xf32>
      %reduce_sum3A_283 = arith.constant dense<0.000000e+00> : vector<1xf32>
      %reduce_sum3A_284 = vector.multi_reduction <add>, %reduce_sum3A_282, %reduce_sum3A_283 [1, 2] : vector<1x32x512xf32> to vector<1xf32>
      %reduce_sum3A_285 = vector.shape_cast %reduce_sum3A_284 : vector<1xf32> to vector<1x1x1xf32>
      %reduce_sum3A_286 = vector.extract %reduce_sum3A_285[0, 0, 0] : f32 from vector<1x1x1xf32>
      %mul3A_287 = arith.constant 0.000000e+00 : f32
      %mul3A_288 = vector.broadcast %mul3A_287 : f32 to vector<32x512xf32>
      %mul3A_289 = arith.mulf %mul3A_288, %get3A_276 : vector<32x512xf32>
      %sub3A_290 = arith.constant 5.000000e-01 : f32
      %sub3A_291 = vector.broadcast %sub3A_290 : f32 to vector<32x512xf32>
      %sub3A_292 = arith.subf %get3A_276, %sub3A_291 : vector<32x512xf32>
      %gt3A = arith.cmpf ogt, %mul3A_289, %sub3A_292 : vector<32x512xf32>
      %ne3A = arith.constant 0.000000e+00 : f32
      %ne3A_293 = vector.broadcast %ne3A : f32 to vector<32x512xf32>
      %ne3A_294 = arith.cmpf one, %get3A_279, %ne3A_293 : vector<32x512xf32>
      %and3A = arith.andi %gt3A, %ne3A_294 : vector<32x512xi1>
      %convert_element_type3A_295 = arith.extui %and3A : vector<32x512xi1> to vector<32x512xi32>
      %convert_element_type3A_296 = arith.sitofp %convert_element_type3A_295 : vector<32x512xi32> to vector<32x512xf32>
      %reduce_sum3A_297 = vector.shape_cast %convert_element_type3A_296 : vector<32x512xf32> to vector<1x32x512xf32>
      %reduce_sum3A_298 = arith.constant dense<0.000000e+00> : vector<1xf32>
      %reduce_sum3A_299 = vector.multi_reduction <add>, %reduce_sum3A_297, %reduce_sum3A_298 [1, 2] : vector<1x32x512xf32> to vector<1xf32>
      %reduce_sum3A_300 = vector.shape_cast %reduce_sum3A_299 : vector<1xf32> to vector<1x1x1xf32>
      %reduce_sum3A_301 = vector.extract %reduce_sum3A_300[0, 0, 0] : f32 from vector<1x1x1xf32>
      %swap3A_302 = arith.constant 0 : index
      %swap3A_303 = memref.load %arg17[%swap3A_302] : memref<8xf32, #tpu.memory_space<smem>>
      memref.store %reduce_sum3A_241, %arg17[%swap3A_302] : memref<8xf32, #tpu.memory_space<smem>>
      %swap3A_304 = arith.constant 1 : index
      %swap3A_305 = memref.load %arg17[%swap3A_304] : memref<8xf32, #tpu.memory_space<smem>>
      memref.store %reduce_sum3A_255, %arg17[%swap3A_304] : memref<8xf32, #tpu.memory_space<smem>>
      %swap3A_306 = arith.constant 2 : index
      %swap3A_307 = memref.load %arg17[%swap3A_306] : memref<8xf32, #tpu.memory_space<smem>>
      memref.store %reduce_sum3A_273, %arg17[%swap3A_306] : memref<8xf32, #tpu.memory_space<smem>>
      %swap3A_308 = arith.constant 3 : index
      %swap3A_309 = memref.load %arg17[%swap3A_308] : memref<8xf32, #tpu.memory_space<smem>>
      memref.store %reduce_sum3A_228, %arg17[%swap3A_308] : memref<8xf32, #tpu.memory_space<smem>>
      %swap3A_310 = arith.constant 4 : index
      %swap3A_311 = memref.load %arg17[%swap3A_310] : memref<8xf32, #tpu.memory_space<smem>>
      memref.store %reduce_sum3A_286, %arg17[%swap3A_310] : memref<8xf32, #tpu.memory_space<smem>>
      %swap3A_312 = arith.constant 5 : index
      %swap3A_313 = memref.load %arg17[%swap3A_312] : memref<8xf32, #tpu.memory_space<smem>>
      memref.store %reduce_sum3A_301, %arg17[%swap3A_312] : memref<8xf32, #tpu.memory_space<smem>>
      %get3A_314 = arith.constant 0 : index
      %get3A_315 = arith.constant 0 : index
      %get3A_316 = vector.load %arg4[%get3A_314, %get3A_315] : memref<32x2048xbf16, #tpu.memory_space<vmem>>, vector<32x2048xbf16>
      %convert_element_type3A_317 = arith.extf %get3A_316 : vector<32x2048xbf16> to vector<32x2048xf32>
      %reduce_sum3A_318 = vector.shape_cast %convert_element_type3A_317 : vector<32x2048xf32> to vector<1x32x2048xf32>
      %reduce_sum3A_319 = arith.constant dense<0.000000e+00> : vector<1xf32>
      %reduce_sum3A_320 = vector.multi_reduction <add>, %reduce_sum3A_318, %reduce_sum3A_319 [1, 2] : vector<1x32x2048xf32> to vector<1xf32>
      %reduce_sum3A_321 = vector.shape_cast %reduce_sum3A_320 : vector<1xf32> to vector<1x1x1xf32>
      %reduce_sum3A_322 = vector.extract %reduce_sum3A_321[0, 0, 0] : f32 from vector<1x1x1xf32>
      %swap3A_323 = arith.constant 6 : index
      %swap3A_324 = memref.load %arg17[%swap3A_323] : memref<8xf32, #tpu.memory_space<smem>>
      memref.store %reduce_sum3A_322, %arg17[%swap3A_323] : memref<8xf32, #tpu.memory_space<smem>>
      %broadcast_in_dim3A_325 = arith.constant 0.000000e+00 : f32
      %broadcast_in_dim3A_326 = vector.broadcast %broadcast_in_dim3A_325 : f32 to vector<1x2048xf32>
      %swap3A_327 = arith.constant 0 : index
      %swap3A_328 = arith.constant 0 : index
      %swap3A_329 = vector.load %arg15[%swap3A_327, %swap3A_328] : memref<1x2048xf32, #tpu.memory_space<vmem>>, vector<1x2048xf32>
      tpu.vector_store %arg15[%swap3A_327, %swap3A_328], %broadcast_in_dim3A_326 {strides = array<i32>} : memref<1x2048xf32, #tpu.memory_space<vmem>>, vector<1x2048xf32>,
      %broadcast_in_dim3A_330 = arith.constant 0.000000e+00 : f32
      %broadcast_in_dim3A_331 = vector.broadcast %broadcast_in_dim3A_330 : f32 to vector<1x2048xf32>
      %swap3A_332 = arith.constant 0 : index
      %swap3A_333 = arith.constant 0 : index
      %swap3A_334 = vector.load %arg16[%swap3A_332, %swap3A_333] : memref<1x2048xf32, #tpu.memory_space<vmem>>, vector<1x2048xf32>
      tpu.vector_store %arg16[%swap3A_332, %swap3A_333], %broadcast_in_dim3A_331 {strides = array<i32>} : memref<1x2048xf32, #tpu.memory_space<vmem>>, vector<1x2048xf32>,
    } else {
    }
    %iota3A = tpu.iota {dimensions = array<i32: 1>} : vector<1x32xi32>
    %mul3A = arith.constant 4 : i32
    %mul3A_2 = arith.muli %arg0, %mul3A : i32
    %add3A = arith.constant 0 : i32
    %add3A_3 = arith.addi %mul3A_2, %add3A : i32
    %eq3A_4 = vector.broadcast %add3A_3 : i32 to vector<1x32xi32>
    %eq3A_5 = arith.cmpi eq, %iota3A, %eq3A_4 : vector<1x32xi32>
    %convert_element_type3A_6 = arith.extui %eq3A_5 : vector<1x32xi1> to vector<1x32xi32>
    %convert_element_type3A_7 = arith.sitofp %convert_element_type3A_6 : vector<1x32xi32> to vector<1x32xf32>
    %convert_element_type3A_8 = arith.truncf %convert_element_type3A_7 : vector<1x32xf32> to vector<1x32xbf16>
    %get3A = arith.constant 0 : index
    %get3A_9 = arith.constant 0 : index
    %get3A_10 = vector.load %arg4[%get3A, %get3A_9] : memref<32x2048xbf16, #tpu.memory_space<vmem>>, vector<32x2048xbf16>
    %dot_general3A = arith.constant dense<0.000000e+00> : vector<1x2048xf32>
    %dot_general3A_11 = tpu.matmul %convert_element_type3A_8, %get3A_10, %dot_general3A {dimension_numbers = #tpu.dot_dimension_numbers<[1], [0], [0], [1], [0, 0, 1, 1], [], []>, transpose_lhs_hint = false} : vector<1x32xbf16>, vector<32x2048xbf16>, vector<1x2048xf32> -> vector<1x2048xf32>
    %get3A_12 = arith.constant 0 : index
    %get3A_13 = arith.constant 0 : index
    %get3A_14 = arith.constant 0 : index
    %get3A_15 = vector.load %arg1[%get3A_12, %get3A_13, %get3A_14] : memref<4x80x2048xf32, #tpu.memory_space<vmem>>, vector<1x80x2048xf32>
    %get3A_16 = vector.shape_cast %get3A_15 : vector<1x80x2048xf32> to vector<80x2048xf32>
    %get3A_17 = arith.constant 0 : index
    %get3A_18 = arith.constant 0 : index
    %get3A_19 = arith.constant 0 : index
    %get3A_20 = vector.load %arg2[%get3A_17, %get3A_18, %get3A_19] : memref<4x80x2048xf32, #tpu.memory_space<vmem>>, vector<1x80x2048xf32>
    %get3A_21 = vector.shape_cast %get3A_20 : vector<1x80x2048xf32> to vector<80x2048xf32>
    %sub3A = arith.subf %get3A_21, %get3A_16 : vector<80x2048xf32>
    %abs3A = math.absf %sub3A : vector<80x2048xf32>
    %reduce_sum3A = arith.constant dense<0.000000e+00> : vector<2048xf32>
    %reduce_sum3A_22 = vector.multi_reduction <add>, %abs3A, %reduce_sum3A [0] : vector<80x2048xf32> to vector<2048xf32>
    %broadcast_in_dim3A = vector.shape_cast %reduce_sum3A_22 : vector<2048xf32> to vector<1x2048xf32>
    %get3A_23 = arith.constant 0 : index
    %get3A_24 = arith.constant 0 : index
    %get3A_25 = arith.constant 0 : index
    %get3A_26 = vector.load %arg3[%get3A_23, %get3A_24, %get3A_25] : memref<4x80x2048xf32, #tpu.memory_space<vmem>>, vector<1x80x2048xf32>
    %get3A_27 = vector.shape_cast %get3A_26 : vector<1x80x2048xf32> to vector<80x2048xf32>
    %sub3A_28 = arith.subf %get3A_27, %get3A_16 : vector<80x2048xf32>
    %abs3A_29 = math.absf %sub3A_28 : vector<80x2048xf32>
    %reduce_sum3A_30 = arith.constant dense<0.000000e+00> : vector<2048xf32>
    %reduce_sum3A_31 = vector.multi_reduction <add>, %abs3A_29, %reduce_sum3A_30 [0] : vector<80x2048xf32> to vector<2048xf32>
    %broadcast_in_dim3A_32 = vector.shape_cast %reduce_sum3A_31 : vector<2048xf32> to vector<1x2048xf32>
    %get3A_33 = arith.constant 0 : index
    %get3A_34 = arith.constant 0 : index
    %get3A_35 = vector.load %arg15[%get3A_33, %get3A_34] : memref<1x2048xf32, #tpu.memory_space<vmem>>, vector<1x2048xf32>
    %mul3A_36 = arith.mulf %broadcast_in_dim3A, %dot_general3A_11 : vector<1x2048xf32>
    %add3A_37 = arith.addf %get3A_35, %mul3A_36 : vector<1x2048xf32>
    %swap3A = arith.constant 0 : index
    %swap3A_38 = arith.constant 0 : index
    %swap3A_39 = vector.load %arg15[%swap3A, %swap3A_38] : memref<1x2048xf32, #tpu.memory_space<vmem>>, vector<1x2048xf32>
    tpu.vector_store %arg15[%swap3A, %swap3A_38], %add3A_37 {strides = array<i32>} : memref<1x2048xf32, #tpu.memory_space<vmem>>, vector<1x2048xf32>,
    %get3A_40 = arith.constant 0 : index
    %get3A_41 = arith.constant 0 : index
    %get3A_42 = vector.load %arg16[%get3A_40, %get3A_41] : memref<1x2048xf32, #tpu.memory_space<vmem>>, vector<1x2048xf32>
    %mul3A_43 = arith.mulf %broadcast_in_dim3A_32, %dot_general3A_11 : vector<1x2048xf32>
    %add3A_44 = arith.addf %get3A_42, %mul3A_43 : vector<1x2048xf32>
    %swap3A_45 = arith.constant 0 : index
    %swap3A_46 = arith.constant 0 : index
    %swap3A_47 = vector.load %arg16[%swap3A_45, %swap3A_46] : memref<1x2048xf32, #tpu.memory_space<vmem>>, vector<1x2048xf32>
    tpu.vector_store %arg16[%swap3A_45, %swap3A_46], %add3A_44 {strides = array<i32>} : memref<1x2048xf32, #tpu.memory_space<vmem>>, vector<1x2048xf32>,
    %iota3A_48 = tpu.iota {dimensions = array<i32: 1>} : vector<1x32xi32>
    %mul3A_49 = arith.constant 4 : i32
    %mul3A_50 = arith.muli %arg0, %mul3A_49 : i32
    %add3A_51 = arith.constant 1 : i32
    %add3A_52 = arith.addi %mul3A_50, %add3A_51 : i32
    %eq3A_53 = vector.broadcast %add3A_52 : i32 to vector<1x32xi32>
    %eq3A_54 = arith.cmpi eq, %iota3A_48, %eq3A_53 : vector<1x32xi32>
    %convert_element_type3A_55 = arith.extui %eq3A_54 : vector<1x32xi1> to vector<1x32xi32>
    %convert_element_type3A_56 = arith.sitofp %convert_element_type3A_55 : vector<1x32xi32> to vector<1x32xf32>
    %convert_element_type3A_57 = arith.truncf %convert_element_type3A_56 : vector<1x32xf32> to vector<1x32xbf16>
    %get3A_58 = arith.constant 0 : index
    %get3A_59 = arith.constant 0 : index
    %get3A_60 = vector.load %arg4[%get3A_58, %get3A_59] : memref<32x2048xbf16, #tpu.memory_space<vmem>>, vector<32x2048xbf16>
    %dot_general3A_61 = arith.constant dense<0.000000e+00> : vector<1x2048xf32>
    %dot_general3A_62 = tpu.matmul %convert_element_type3A_57, %get3A_60, %dot_general3A_61 {dimension_numbers = #tpu.dot_dimension_numbers<[1], [0], [0], [1], [0, 0, 1, 1], [], []>, transpose_lhs_hint = false} : vector<1x32xbf16>, vector<32x2048xbf16>, vector<1x2048xf32> -> vector<1x2048xf32>
    %get3A_63 = arith.constant 1 : index
    %get3A_64 = arith.constant 0 : index
    %get3A_65 = arith.constant 0 : index
    %get3A_66 = vector.load %arg1[%get3A_63, %get3A_64, %get3A_65] : memref<4x80x2048xf32, #tpu.memory_space<vmem>>, vector<1x80x2048xf32>
    %get3A_67 = vector.shape_cast %get3A_66 : vector<1x80x2048xf32> to vector<80x2048xf32>
    %get3A_68 = arith.constant 1 : index
    %get3A_69 = arith.constant 0 : index
    %get3A_70 = arith.constant 0 : index
    %get3A_71 = vector.load %arg2[%get3A_68, %get3A_69, %get3A_70] : memref<4x80x2048xf32, #tpu.memory_space<vmem>>, vector<1x80x2048xf32>
    %get3A_72 = vector.shape_cast %get3A_71 : vector<1x80x2048xf32> to vector<80x2048xf32>
    %sub3A_73 = arith.subf %get3A_72, %get3A_67 : vector<80x2048xf32>
    %abs3A_74 = math.absf %sub3A_73 : vector<80x2048xf32>
    %reduce_sum3A_75 = arith.constant dense<0.000000e+00> : vector<2048xf32>
    %reduce_sum3A_76 = vector.multi_reduction <add>, %abs3A_74, %reduce_sum3A_75 [0] : vector<80x2048xf32> to vector<2048xf32>
    %broadcast_in_dim3A_77 = vector.shape_cast %reduce_sum3A_76 : vector<2048xf32> to vector<1x2048xf32>
    %get3A_78 = arith.constant 1 : index
    %get3A_79 = arith.constant 0 : index
    %get3A_80 = arith.constant 0 : index
    %get3A_81 = vector.load %arg3[%get3A_78, %get3A_79, %get3A_80] : memref<4x80x2048xf32, #tpu.memory_space<vmem>>, vector<1x80x2048xf32>
    %get3A_82 = vector.shape_cast %get3A_81 : vector<1x80x2048xf32> to vector<80x2048xf32>
    %sub3A_83 = arith.subf %get3A_82, %get3A_67 : vector<80x2048xf32>
    %abs3A_84 = math.absf %sub3A_83 : vector<80x2048xf32>
    %reduce_sum3A_85 = arith.constant dense<0.000000e+00> : vector<2048xf32>
    %reduce_sum3A_86 = vector.multi_reduction <add>, %abs3A_84, %reduce_sum3A_85 [0] : vector<80x2048xf32> to vector<2048xf32>
    %broadcast_in_dim3A_87 = vector.shape_cast %reduce_sum3A_86 : vector<2048xf32> to vector<1x2048xf32>
    %get3A_88 = arith.constant 0 : index
    %get3A_89 = arith.constant 0 : index
    %get3A_90 = vector.load %arg15[%get3A_88, %get3A_89] : memref<1x2048xf32, #tpu.memory_space<vmem>>, vector<1x2048xf32>
    %mul3A_91 = arith.mulf %broadcast_in_dim3A_77, %dot_general3A_62 : vector<1x2048xf32>
    %add3A_92 = arith.addf %get3A_90, %mul3A_91 : vector<1x2048xf32>
    %swap3A_93 = arith.constant 0 : index
    %swap3A_94 = arith.constant 0 : index
    %swap3A_95 = vector.load %arg15[%swap3A_93, %swap3A_94] : memref<1x2048xf32, #tpu.memory_space<vmem>>, vector<1x2048xf32>
    tpu.vector_store %arg15[%swap3A_93, %swap3A_94], %add3A_92 {strides = array<i32>} : memref<1x2048xf32, #tpu.memory_space<vmem>>, vector<1x2048xf32>,
    %get3A_96 = arith.constant 0 : index
    %get3A_97 = arith.constant 0 : index
    %get3A_98 = vector.load %arg16[%get3A_96, %get3A_97] : memref<1x2048xf32, #tpu.memory_space<vmem>>, vector<1x2048xf32>
    %mul3A_99 = arith.mulf %broadcast_in_dim3A_87, %dot_general3A_62 : vector<1x2048xf32>
    %add3A_100 = arith.addf %get3A_98, %mul3A_99 : vector<1x2048xf32>
    %swap3A_101 = arith.constant 0 : index
    %swap3A_102 = arith.constant 0 : index
    %swap3A_103 = vector.load %arg16[%swap3A_101, %swap3A_102] : memref<1x2048xf32, #tpu.memory_space<vmem>>, vector<1x2048xf32>
    tpu.vector_store %arg16[%swap3A_101, %swap3A_102], %add3A_100 {strides = array<i32>} : memref<1x2048xf32, #tpu.memory_space<vmem>>, vector<1x2048xf32>,
    %iota3A_104 = tpu.iota {dimensions = array<i32: 1>} : vector<1x32xi32>
    %mul3A_105 = arith.constant 4 : i32
    %mul3A_106 = arith.muli %arg0, %mul3A_105 : i32
    %add3A_107 = arith.constant 2 : i32
    %add3A_108 = arith.addi %mul3A_106, %add3A_107 : i32
    %eq3A_109 = vector.broadcast %add3A_108 : i32 to vector<1x32xi32>
    %eq3A_110 = arith.cmpi eq, %iota3A_104, %eq3A_109 : vector<1x32xi32>
    %convert_element_type3A_111 = arith.extui %eq3A_110 : vector<1x32xi1> to vector<1x32xi32>
    %convert_element_type3A_112 = arith.sitofp %convert_element_type3A_111 : vector<1x32xi32> to vector<1x32xf32>
    %convert_element_type3A_113 = arith.truncf %convert_element_type3A_112 : vector<1x32xf32> to vector<1x32xbf16>
    %get3A_114 = arith.constant 0 : index
    %get3A_115 = arith.constant 0 : index
    %get3A_116 = vector.load %arg4[%get3A_114, %get3A_115] : memref<32x2048xbf16, #tpu.memory_space<vmem>>, vector<32x2048xbf16>
    %dot_general3A_117 = arith.constant dense<0.000000e+00> : vector<1x2048xf32>
    %dot_general3A_118 = tpu.matmul %convert_element_type3A_113, %get3A_116, %dot_general3A_117 {dimension_numbers = #tpu.dot_dimension_numbers<[1], [0], [0], [1], [0, 0, 1, 1], [], []>, transpose_lhs_hint = false} : vector<1x32xbf16>, vector<32x2048xbf16>, vector<1x2048xf32> -> vector<1x2048xf32>
    %get3A_119 = arith.constant 2 : index
    %get3A_120 = arith.constant 0 : index
    %get3A_121 = arith.constant 0 : index
    %get3A_122 = vector.load %arg1[%get3A_119, %get3A_120, %get3A_121] : memref<4x80x2048xf32, #tpu.memory_space<vmem>>, vector<1x80x2048xf32>
    %get3A_123 = vector.shape_cast %get3A_122 : vector<1x80x2048xf32> to vector<80x2048xf32>
    %get3A_124 = arith.constant 2 : index
    %get3A_125 = arith.constant 0 : index
    %get3A_126 = arith.constant 0 : index
    %get3A_127 = vector.load %arg2[%get3A_124, %get3A_125, %get3A_126] : memref<4x80x2048xf32, #tpu.memory_space<vmem>>, vector<1x80x2048xf32>
    %get3A_128 = vector.shape_cast %get3A_127 : vector<1x80x2048xf32> to vector<80x2048xf32>
    %sub3A_129 = arith.subf %get3A_128, %get3A_123 : vector<80x2048xf32>
    %abs3A_130 = math.absf %sub3A_129 : vector<80x2048xf32>
    %reduce_sum3A_131 = arith.constant dense<0.000000e+00> : vector<2048xf32>
    %reduce_sum3A_132 = vector.multi_reduction <add>, %abs3A_130, %reduce_sum3A_131 [0] : vector<80x2048xf32> to vector<2048xf32>
    %broadcast_in_dim3A_133 = vector.shape_cast %reduce_sum3A_132 : vector<2048xf32> to vector<1x2048xf32>
    %get3A_134 = arith.constant 2 : index
    %get3A_135 = arith.constant 0 : index
    %get3A_136 = arith.constant 0 : index
    %get3A_137 = vector.load %arg3[%get3A_134, %get3A_135, %get3A_136] : memref<4x80x2048xf32, #tpu.memory_space<vmem>>, vector<1x80x2048xf32>
    %get3A_138 = vector.shape_cast %get3A_137 : vector<1x80x2048xf32> to vector<80x2048xf32>
    %sub3A_139 = arith.subf %get3A_138, %get3A_123 : vector<80x2048xf32>
    %abs3A_140 = math.absf %sub3A_139 : vector<80x2048xf32>
    %reduce_sum3A_141 = arith.constant dense<0.000000e+00> : vector<2048xf32>
    %reduce_sum3A_142 = vector.multi_reduction <add>, %abs3A_140, %reduce_sum3A_141 [0] : vector<80x2048xf32> to vector<2048xf32>
    %broadcast_in_dim3A_143 = vector.shape_cast %reduce_sum3A_142 : vector<2048xf32> to vector<1x2048xf32>
    %get3A_144 = arith.constant 0 : index
    %get3A_145 = arith.constant 0 : index
    %get3A_146 = vector.load %arg15[%get3A_144, %get3A_145] : memref<1x2048xf32, #tpu.memory_space<vmem>>, vector<1x2048xf32>
    %mul3A_147 = arith.mulf %broadcast_in_dim3A_133, %dot_general3A_118 : vector<1x2048xf32>
    %add3A_148 = arith.addf %get3A_146, %mul3A_147 : vector<1x2048xf32>
    %swap3A_149 = arith.constant 0 : index
    %swap3A_150 = arith.constant 0 : index
    %swap3A_151 = vector.load %arg15[%swap3A_149, %swap3A_150] : memref<1x2048xf32, #tpu.memory_space<vmem>>, vector<1x2048xf32>
    tpu.vector_store %arg15[%swap3A_149, %swap3A_150], %add3A_148 {strides = array<i32>} : memref<1x2048xf32, #tpu.memory_space<vmem>>, vector<1x2048xf32>,
    %get3A_152 = arith.constant 0 : index
    %get3A_153 = arith.constant 0 : index
    %get3A_154 = vector.load %arg16[%get3A_152, %get3A_153] : memref<1x2048xf32, #tpu.memory_space<vmem>>, vector<1x2048xf32>
    %mul3A_155 = arith.mulf %broadcast_in_dim3A_143, %dot_general3A_118 : vector<1x2048xf32>
    %add3A_156 = arith.addf %get3A_154, %mul3A_155 : vector<1x2048xf32>
    %swap3A_157 = arith.constant 0 : index
    %swap3A_158 = arith.constant 0 : index
    %swap3A_159 = vector.load %arg16[%swap3A_157, %swap3A_158] : memref<1x2048xf32, #tpu.memory_space<vmem>>, vector<1x2048xf32>
    tpu.vector_store %arg16[%swap3A_157, %swap3A_158], %add3A_156 {strides = array<i32>} : memref<1x2048xf32, #tpu.memory_space<vmem>>, vector<1x2048xf32>,
    %iota3A_160 = tpu.iota {dimensions = array<i32: 1>} : vector<1x32xi32>
    %mul3A_161 = arith.constant 4 : i32
    %mul3A_162 = arith.muli %arg0, %mul3A_161 : i32
    %add3A_163 = arith.constant 3 : i32
    %add3A_164 = arith.addi %mul3A_162, %add3A_163 : i32
    %eq3A_165 = vector.broadcast %add3A_164 : i32 to vector<1x32xi32>
    %eq3A_166 = arith.cmpi eq, %iota3A_160, %eq3A_165 : vector<1x32xi32>
    %convert_element_type3A_167 = arith.extui %eq3A_166 : vector<1x32xi1> to vector<1x32xi32>
    %convert_element_type3A_168 = arith.sitofp %convert_element_type3A_167 : vector<1x32xi32> to vector<1x32xf32>
    %convert_element_type3A_169 = arith.truncf %convert_element_type3A_168 : vector<1x32xf32> to vector<1x32xbf16>
    %get3A_170 = arith.constant 0 : index
    %get3A_171 = arith.constant 0 : index
    %get3A_172 = vector.load %arg4[%get3A_170, %get3A_171] : memref<32x2048xbf16, #tpu.memory_space<vmem>>, vector<32x2048xbf16>
    %dot_general3A_173 = arith.constant dense<0.000000e+00> : vector<1x2048xf32>
    %dot_general3A_174 = tpu.matmul %convert_element_type3A_169, %get3A_172, %dot_general3A_173 {dimension_numbers = #tpu.dot_dimension_numbers<[1], [0], [0], [1], [0, 0, 1, 1], [], []>, transpose_lhs_hint = false} : vector<1x32xbf16>, vector<32x2048xbf16>, vector<1x2048xf32> -> vector<1x2048xf32>
    %get3A_175 = arith.constant 3 : index
    %get3A_176 = arith.constant 0 : index
    %get3A_177 = arith.constant 0 : index
    %get3A_178 = vector.load %arg1[%get3A_175, %get3A_176, %get3A_177] : memref<4x80x2048xf32, #tpu.memory_space<vmem>>, vector<1x80x2048xf32>
    %get3A_179 = vector.shape_cast %get3A_178 : vector<1x80x2048xf32> to vector<80x2048xf32>
    %get3A_180 = arith.constant 3 : index
    %get3A_181 = arith.constant 0 : index
    %get3A_182 = arith.constant 0 : index
    %get3A_183 = vector.load %arg2[%get3A_180, %get3A_181, %get3A_182] : memref<4x80x2048xf32, #tpu.memory_space<vmem>>, vector<1x80x2048xf32>
    %get3A_184 = vector.shape_cast %get3A_183 : vector<1x80x2048xf32> to vector<80x2048xf32>
    %sub3A_185 = arith.subf %get3A_184, %get3A_179 : vector<80x2048xf32>
    %abs3A_186 = math.absf %sub3A_185 : vector<80x2048xf32>
    %reduce_sum3A_187 = arith.constant dense<0.000000e+00> : vector<2048xf32>
    %reduce_sum3A_188 = vector.multi_reduction <add>, %abs3A_186, %reduce_sum3A_187 [0] : vector<80x2048xf32> to vector<2048xf32>
    %broadcast_in_dim3A_189 = vector.shape_cast %reduce_sum3A_188 : vector<2048xf32> to vector<1x2048xf32>
    %get3A_190 = arith.constant 3 : index
    %get3A_191 = arith.constant 0 : index
    %get3A_192 = arith.constant 0 : index
    %get3A_193 = vector.load %arg3[%get3A_190, %get3A_191, %get3A_192] : memref<4x80x2048xf32, #tpu.memory_space<vmem>>, vector<1x80x2048xf32>
    %get3A_194 = vector.shape_cast %get3A_193 : vector<1x80x2048xf32> to vector<80x2048xf32>
    %sub3A_195 = arith.subf %get3A_194, %get3A_179 : vector<80x2048xf32>
    %abs3A_196 = math.absf %sub3A_195 : vector<80x2048xf32>
    %reduce_sum3A_197 = arith.constant dense<0.000000e+00> : vector<2048xf32>
    %reduce_sum3A_198 = vector.multi_reduction <add>, %abs3A_196, %reduce_sum3A_197 [0] : vector<80x2048xf32> to vector<2048xf32>
    %broadcast_in_dim3A_199 = vector.shape_cast %reduce_sum3A_198 : vector<2048xf32> to vector<1x2048xf32>
    %get3A_200 = arith.constant 0 : index
    %get3A_201 = arith.constant 0 : index
    %get3A_202 = vector.load %arg15[%get3A_200, %get3A_201] : memref<1x2048xf32, #tpu.memory_space<vmem>>, vector<1x2048xf32>
    %mul3A_203 = arith.mulf %broadcast_in_dim3A_189, %dot_general3A_174 : vector<1x2048xf32>
    %add3A_204 = arith.addf %get3A_202, %mul3A_203 : vector<1x2048xf32>
    %swap3A_205 = arith.constant 0 : index
    %swap3A_206 = arith.constant 0 : index
    %swap3A_207 = vector.load %arg15[%swap3A_205, %swap3A_206] : memref<1x2048xf32, #tpu.memory_space<vmem>>, vector<1x2048xf32>
    tpu.vector_store %arg15[%swap3A_205, %swap3A_206], %add3A_204 {strides = array<i32>} : memref<1x2048xf32, #tpu.memory_space<vmem>>, vector<1x2048xf32>,
    %get3A_208 = arith.constant 0 : index
    %get3A_209 = arith.constant 0 : index
    %get3A_210 = vector.load %arg16[%get3A_208, %get3A_209] : memref<1x2048xf32, #tpu.memory_space<vmem>>, vector<1x2048xf32>
    %mul3A_211 = arith.mulf %broadcast_in_dim3A_199, %dot_general3A_174 : vector<1x2048xf32>
    %add3A_212 = arith.addf %get3A_210, %mul3A_211 : vector<1x2048xf32>
    %swap3A_213 = arith.constant 0 : index
    %swap3A_214 = arith.constant 0 : index
    %swap3A_215 = vector.load %arg16[%swap3A_213, %swap3A_214] : memref<1x2048xf32, #tpu.memory_space<vmem>>, vector<1x2048xf32>
    tpu.vector_store %arg16[%swap3A_213, %swap3A_214], %add3A_212 {strides = array<i32>} : memref<1x2048xf32, #tpu.memory_space<vmem>>, vector<1x2048xf32>,
    %eq3A_216 = arith.constant 6 : i32
    %eq3A_217 = arith.cmpi eq, %arg0, %eq3A_216 : i32
    %convert_element_type3A_218 = arith.extui %eq3A_217 : i1 to i32
    %cond3A_219 = arith.constant 0 : i32
    %cond3A_220 = arith.cmpi ne, %convert_element_type3A_218, %cond3A_219 : i32
    scf.if %cond3A_220 {
      %get3A_221 = arith.constant 3 : index
      %get3A_222 = memref.load %arg17[%get3A_221] : memref<8xf32, #tpu.memory_space<smem>>
      %get3A_223 = arith.constant 4 : index
      %get3A_224 = memref.load %arg17[%get3A_223] : memref<8xf32, #tpu.memory_space<smem>>
      %div3A = arith.constant 1.638400e+04 : f32
      %div3A_225 = arith.divf %get3A_224, %div3A : f32
      %get3A_226 = arith.constant 5 : index
      %get3A_227 = memref.load %arg17[%get3A_226] : memref<8xf32, #tpu.memory_space<smem>>
      %mul3A_228 = arith.constant 5.000000e+01 : f32
      %mul3A_229 = arith.mulf %mul3A_228, %get3A_227 : f32
      %div3A_230 = arith.constant 3.200000e+01 : f32
      %div3A_231 = arith.divf %mul3A_229, %div3A_230 : f32
      %add3A_232 = arith.addf %div3A_225, %div3A_231 : f32
      %div3A_233 = arith.constant 5.120000e+02 : f32
      %div3A_234 = arith.divf %add3A_232, %div3A_233 : f32
      %get3A_235 = arith.constant 0 : index
      %get3A_236 = arith.constant 0 : index
      %get3A_237 = vector.load %arg15[%get3A_235, %get3A_236] : memref<1x2048xf32, #tpu.memory_space<vmem>>, vector<1x2048xf32>
      %reduce_sum3A_238 = vector.shape_cast %get3A_237 : vector<1x2048xf32> to vector<1x1x2048xf32>
      %reduce_sum3A_239 = arith.constant dense<0.000000e+00> : vector<1xf32>
      %reduce_sum3A_240 = vector.multi_reduction <add>, %reduce_sum3A_238, %reduce_sum3A_239 [1, 2] : vector<1x1x2048xf32> to vector<1xf32>
      %reduce_sum3A_241 = vector.shape_cast %reduce_sum3A_240 : vector<1xf32> to vector<1x1x1xf32>
      %reduce_sum3A_242 = vector.extract %reduce_sum3A_241[0, 0, 0] : f32 from vector<1x1x1xf32>
      %swap3A_243 = arith.constant 0 : index
      %swap3A_244 = memref.load %arg14[%swap3A_243] : memref<8xf32, #tpu.memory_space<smem>>
      memref.store %reduce_sum3A_242, %arg14[%swap3A_243] : memref<8xf32, #tpu.memory_space<smem>>
      %get3A_245 = arith.constant 0 : index
      %get3A_246 = arith.constant 0 : index
      %get3A_247 = vector.load %arg16[%get3A_245, %get3A_246] : memref<1x2048xf32, #tpu.memory_space<vmem>>, vector<1x2048xf32>
      %reduce_sum3A_248 = vector.shape_cast %get3A_247 : vector<1x2048xf32> to vector<1x1x2048xf32>
      %reduce_sum3A_249 = arith.constant dense<0.000000e+00> : vector<1xf32>
      %reduce_sum3A_250 = vector.multi_reduction <add>, %reduce_sum3A_248, %reduce_sum3A_249 [1, 2] : vector<1x1x2048xf32> to vector<1xf32>
      %reduce_sum3A_251 = vector.shape_cast %reduce_sum3A_250 : vector<1xf32> to vector<1x1x1xf32>
      %reduce_sum3A_252 = vector.extract %reduce_sum3A_251[0, 0, 0] : f32 from vector<1x1x1xf32>
      %swap3A_253 = arith.constant 1 : index
      %swap3A_254 = memref.load %arg14[%swap3A_253] : memref<8xf32, #tpu.memory_space<smem>>
      memref.store %reduce_sum3A_252, %arg14[%swap3A_253] : memref<8xf32, #tpu.memory_space<smem>>
      %get3A_255 = arith.constant 6 : index
      %get3A_256 = memref.load %arg17[%get3A_255] : memref<8xf32, #tpu.memory_space<smem>>
      %mul3A_257 = arith.constant 8.000000e+01 : f32
      %mul3A_258 = arith.mulf %get3A_256, %mul3A_257 : f32
      %swap3A_259 = arith.constant 2 : index
      %swap3A_260 = memref.load %arg14[%swap3A_259] : memref<8xf32, #tpu.memory_space<smem>>
      memref.store %mul3A_258, %arg14[%swap3A_259] : memref<8xf32, #tpu.memory_space<smem>>
      %get3A_261 = arith.constant 0 : index
      %get3A_262 = memref.load %arg17[%get3A_261] : memref<8xf32, #tpu.memory_space<smem>>
      %div3A_263 = arith.divf %get3A_262, %get3A_222 : f32
      %swap3A_264 = arith.constant 3 : index
      %swap3A_265 = memref.load %arg14[%swap3A_264] : memref<8xf32, #tpu.memory_space<smem>>
      memref.store %div3A_263, %arg14[%swap3A_264] : memref<8xf32, #tpu.memory_space<smem>>
      %get3A_266 = arith.constant 1 : index
      %get3A_267 = memref.load %arg17[%get3A_266] : memref<8xf32, #tpu.memory_space<smem>>
      %div3A_268 = arith.divf %get3A_267, %get3A_222 : f32
      %swap3A_269 = arith.constant 4 : index
      %swap3A_270 = memref.load %arg14[%swap3A_269] : memref<8xf32, #tpu.memory_space<smem>>
      memref.store %div3A_268, %arg14[%swap3A_269] : memref<8xf32, #tpu.memory_space<smem>>
      %get3A_271 = arith.constant 2 : index
      %get3A_272 = memref.load %arg17[%get3A_271] : memref<8xf32, #tpu.memory_space<smem>>
      %div3A_273 = arith.divf %get3A_272, %get3A_222 : f32
      %swap3A_274 = arith.constant 5 : index
      %swap3A_275 = memref.load %arg14[%swap3A_274] : memref<8xf32, #tpu.memory_space<smem>>
      memref.store %div3A_273, %arg14[%swap3A_274] : memref<8xf32, #tpu.memory_space<smem>>
      %mul3A_276 = arith.constant 0.699999988 : f32
      %mul3A_277 = arith.mulf %div3A_234, %mul3A_276 : f32
      %swap3A_278 = arith.constant 6 : index
      %swap3A_279 = memref.load %arg14[%swap3A_278] : memref<8xf32, #tpu.memory_space<smem>>
      memref.store %mul3A_277, %arg14[%swap3A_278] : memref<8xf32, #tpu.memory_space<smem>>
    } else {
    }
    return
  }
  func.func @transform_0(%arg0: i32) -> (i32, i32, i32) {
    %c0_i32 = arith.constant 0 : i32
    %c0_i32_0 = arith.constant 0 : i32
    %c0_i32_1 = arith.constant 0 : i32
    return %arg0, %c0_i32, %c0_i32_0 : i32, i32, i32
  }
  func.func @transform_1(%arg0: i32) -> (i32, i32, i32) {
    %c0_i32 = arith.constant 0 : i32
    %c0_i32_0 = arith.constant 0 : i32
    %c0_i32_1 = arith.constant 0 : i32
    return %arg0, %c0_i32, %c0_i32_0 : i32, i32, i32
  }
  func.func @transform_2(%arg0: i32) -> (i32, i32, i32) {
    %c0_i32 = arith.constant 0 : i32
    %c0_i32_0 = arith.constant 0 : i32
    %c0_i32_1 = arith.constant 0 : i32
    return %arg0, %c0_i32, %c0_i32_0 : i32, i32, i32
  }
  func.func @transform_3(%arg0: i32) -> (i32, i32) {
    %c0_i32 = arith.constant 0 : i32
    %c0_i32_0 = arith.constant 0 : i32
    %c0_i32_1 = arith.constant 0 : i32
    return %c0_i32, %c0_i32_0 : i32, i32
  }
  func.func @transform_4(%arg0: i32) -> (i32, i32) {
    %c0_i32 = arith.constant 0 : i32
    %c0_i32_0 = arith.constant 0 : i32
    %c0_i32_1 = arith.constant 0 : i32
    return %c0_i32, %c0_i32_0 : i32, i32
  }
  func.func @transform_5(%arg0: i32) -> (i32, i32) {
    %c0_i32 = arith.constant 0 : i32
    %c0_i32_0 = arith.constant 0 : i32
    %c0_i32_1 = arith.constant 0 : i32
    return %c0_i32, %c0_i32_0 : i32, i32
  }
  func.func @transform_6(%arg0: i32) -> (i32, i32) {
    %c0_i32 = arith.constant 0 : i32
    %c0_i32_0 = arith.constant 0 : i32
    %c0_i32_1 = arith.constant 0 : i32
    return %c0_i32, %c0_i32_0 : i32, i32
  }
  func.func @transform_7(%arg0: i32) -> (i32, i32) {
    %c0_i32 = arith.constant 0 : i32
    %c0_i32_0 = arith.constant 0 : i32
    %c0_i32_1 = arith.constant 0 : i32
    return %c0_i32, %c0_i32_0 : i32, i32
  }
  func.func @transform_8(%arg0: i32) -> (i32, i32) {
    %c0_i32 = arith.constant 0 : i32
    %c0_i32_0 = arith.constant 0 : i32
    %c0_i32_1 = arith.constant 0 : i32
    return %c0_i32, %c0_i32_0 : i32, i32
  }
  func.func @transform_9(%arg0: i32) -> (i32, i32) {
    %c0_i32 = arith.constant 0 : i32
    %c0_i32_0 = arith.constant 0 : i32
    %c0_i32_1 = arith.constant 0 : i32
    return %c0_i32, %c0_i32_0 : i32, i32
  }
  func.func @transform_10(%arg0: i32) -> (i32, i32) {
    %c0_i32 = arith.constant 0 : i32
    %c0_i32_0 = arith.constant 0 : i32
    %c0_i32_1 = arith.constant 0 : i32
    return %c0_i32, %c0_i32_0 : i32, i32
  }
  func.func @transform_11(%arg0: i32) -> (i32, i32) {
    %c0_i32 = arith.constant 0 : i32
    %c0_i32_0 = arith.constant 0 : i32
    %c0_i32_1 = arith.constant 0 : i32
    return %c0_i32, %c0_i32_0 : i32, i32
  }
  func.func @transform_12(%arg0: i32) -> (i32, i32) {
    %c0_i32 = arith.constant 0 : i32
    %c0_i32_0 = arith.constant 0 : i32
    %c0_i32_1 = arith.constant 0 : i32
    return %c0_i32, %c0_i32_0 : i32, i32
  }
  func.func @transform_13(%arg0: i32) -> i32 {
    %c0_i32 = arith.constant 0 : i32
    %c0_i32_0 = arith.constant 0 : i32
    return %c0_i32 : i32
  }
}

</mosaic_0001>

<sc_bundles>
// kernel: kernel.4.cloned.1.call-start
scs
__scs_entry_jumppad:
0x0: {  	(pc) =	sbr.rel $0x88, $3  }
0x1: {  	(tag) =	ssettag $0x0;
	lr =	simm.s32 $0x1  }
0x2: {  	[smem:$0x3F94] =	sst lr;
	_ =	strace $0xD0000000  }
0x3: {  	_ = 	snop  }
0x4: {  	_ = 	snop  }
0x5: {  	_ = 	snop  }
0x6: {  	_ = 	snop  }
0x7: {  	_ = 	snop  }
__scs_overlays_trampoline_lowered:
0x8: {  	[smem:$0x3FA3] =	sst s0  }
0x9: {  	[smem:$0x3FA4] =	sst s1  }
0xa: {  	[smem:$0x3FA5] =	sst s2  }
0xb: {  	[smem:$0x3FA6] =	sst s3  }
0xc: {  	[smem:$0x3FA7] =	sst s4  }
0xd: {  	[smem:$0x3FA8] =	sst s5  }
0xe: {  	[smem:$0x3FA9] =	sst s6  }
0xf: {  	[smem:$0x3FAA] =	sst s7  }
0x10: {  	[smem:$0x3FAB] =	sst s8  }
0x11: {  	[smem:$0x3FAC] =	sst s9;
	s0 =	simm.s32 @!p0 $0x0  }
0x12: {  	s1 =	sld [smem:$0x3F92];
	s0 =	simm.s32 @p0 $0x1  }
0x13: {  	[smem:$0x3FAD] =	sst s0;
	s0 =	simm.s32 @!p1 $0x0  }
0x14: {  	s2 =	sld [smem:$0x3F91];
	s0 =	simm.s32 @p1 $0x1  }
0x15: {  	[smem:$0x3FAE] =	sst s0;
	s0 =	simm.s32 @!p2 $0x0  }
0x16: {  	s3 =	sld [smem:$0x3FDB];
	s0 =	simm.s32 @p2 $0x1  }
0x17: {  	s4 =	simm.s32 $0x1BF5;
	[smem:$0x3FB0] =	sst s0  }
0x18: {  	s0 =	sld [smem:$0x3F93];
	_ =	swait.ge [sflag:s4], $0x0  }
0x19: {  	s7 =	sld [smem:$0x3F94]  }
0x1a: {  	s8 =	sadd.s32 $0xFFFFE003, lr  }
0x1b: {  	s9 =	sadd.s32 $0xFFFFFEF7, lr;
	s5 =	simm.s32 $0xFFFFFFFF;
	p2 =	slt.u32 s8, $0xFFFFF086  }
0x1c: {  	p1 =	slt.u32 s9, $0xF7A;
	s5 =	simm.s32 @!p2 $0x0  }
0x1d: {  	s5 =	simm.s32 @p1 $0x1;
	p0 =	seq.s32 s7, s2  }
0x1e: {  	s7 =	smul.u32 @!p0 $0xF7A, s2;
	p2 =	seq.s32 @!p0 s5, $0x0  }
0x1f: {  	s9 =	smul.u32 $0xF7A, s1;
	s8 =	simm.s32 @!p0 $0x1BF5;
	p2 =	por !p2, p0  }
0x20: {  	[sflag:s8] =	ssyncset.s32 @!p0 $0xFFFFF086;
	s6 =	sadd.s32 @!p0 s3, s7;
	s7 =	simm.s32 @!p0 $0x108  }
0x21: {  	s3 =	sadd.s32 s3, s9;
	s6 =	sadd.s32 @!p0 $0x88, s6;
	s7 =	simm.s32 @p2 $0x1082  }
0x22: {  	[simem:s7], [sflag:s8] =	dma.local @!p0 [hbm:s6], $0xF7A  }
0x23: {  	s9 =	sor.u32 $0xD0000000, s2;
	s6 =	simm.s32 $0x108;
	_ =	swait.ge @!p0 [sflag:s8], $0x0  }
0x24: {  	s3 =	sadd.s32 $0x88, s3;
	s6 =	simm.s32 @!p1 $0x1082;
	[sflag:s4] =	ssyncset.s32 $0xFFFFF086  }
0x25: {  	[simem:s6], [sflag:s4] =	dma.local [hbm:s3], $0xF7A  }
0x26: {  	[smem:$0x3F94] =	sst s1;
	(tag) =	ssettag s2;
	_ =	strace s9  }
0x27: {  	s1 =	sld [smem:$0x3FA4]  }
0x28: {  	s2 =	sld [smem:$0x3FA5]  }
0x29: {  	s4 =	sld [smem:$0x3FA7]  }
0x2a: {  	p0 =	seq.s32 s5, $0x0;
	s5 =	sld [smem:$0x3FA8]  }
0x2b: {  	s6 =	sld [smem:$0x3FA9]  }
0x2c: {  	s7 =	sld [smem:$0x3FAA]  }
0x2d: {  	s3 =	simm.s32 $0x108;
	s8 =	sld [smem:$0x3FAB]  }
0x2e: {  	s3 =	simm.s32 @!p0 $0x1082;
	s9 =	sld [smem:$0x3FAC]  }
0x2f: {  	lr =	sadd.s32 s0, s3;
	s0 =	sld [smem:$0x3FA3]  }
0x30: {  	s3 =	sld [smem:$0x3FA6]  }
0x31: {  	[smem:$0x3FAF] =	sst s10  }
0x32: {  	s10 =	sld [smem:$0x3FAD];
	_ =	sdelay $0x3  }
0x33: {  	p0 =	seq.s32 s10, $0x1;
	s10 =	sld [smem:$0x3FAF];
	_ =	sdelay $0x3  }
0x34: {  	[smem:$0x3FAF] =	sst s10  }
0x35: {  	s10 =	sld [smem:$0x3FAE];
	_ =	sdelay $0x3  }
0x36: {  	p1 =	seq.s32 s10, $0x1;
	s10 =	sld [smem:$0x3FAF];
	_ =	sdelay $0x3  }
0x37: {  	[smem:$0x3FAF] =	sst s10  }
0x38: {  	s10 =	sld [smem:$0x3FB0]  }
0x39: {  	_ = 	snop;
	(pc) =	sbr.ind lr, $3  }
0x3a: {  	_ = 	snop  }
0x3b: {  	_ = 	snop  }
0x3c: {  	p2 =	seq.s32 s10, $0x1;
	s10 =	sld [smem:$0x3FAF]  }
0x3d: {  	_ =	shalt  }
0x3e: {  	_ =	shalt  }
0x3f: {  	_ =	shalt  }
0x40: {  	_ =	shalt  }
0x41: {  	_ =	shalt  }
0x42: {  	_ =	shalt  }
0x43: {  	_ =	shalt  }
0x44: {  	_ =	shalt  }
0x45: {  	_ =	shalt  }
0x46: {  	_ =	shalt  }
0x47: {  	_ =	shalt  }
0x48: {  	_ =	shalt  }
0x49: {  	_ =	shalt  }
0x4a: {  	_ =	shalt  }
0x4b: {  	_ =	shalt  }
0x4c: {  	_ =	shalt  }
0x4d: {  	_ =	shalt  }
0x4e: {  	_ =	shalt  }
0x4f: {  	_ =	shalt  }
0x50: {  	_ =	shalt  }
0x51: {  	_ =	shalt  }
0x52: {  	_ =	shalt  }
0x53: {  	_ =	shalt  }
0x54: {  	_ =	shalt  }
0x55: {  	_ =	shalt  }
0x56: {  	_ =	shalt  }
0x57: {  	_ =	shalt  }
0x58: {  	_ =	shalt  }
0x59: {  	_ =	shalt  }
0x5a: {  	_ =	shalt  }
0x5b: {  	_ =	shalt  }
0x5c: {  	_ =	shalt  }
0x5d: {  	_ =	shalt  }
0x5e: {  	_ =	shalt  }
0x5f: {  	_ =	shalt  }
0x60: {  	_ =	shalt  }
0x61: {  	_ =	shalt  }
0x62: {  	_ =	shalt  }
0x63: {  	_ =	shalt  }
0x64: {  	_ =	shalt  }
0x65: {  	_ =	shalt  }
0x66: {  	_ =	shalt  }
0x67: {  	_ =	shalt  }
0x68: {  	_ =	shalt  }
0x69: {  	_ =	shalt  }
0x6a: {  	_ =	shalt  }
0x6b: {  	_ =	shalt  }
0x6c: {  	_ =	shalt  }
0x6d: {  	_ =	shalt  }
0x6e: {  	_ =	shalt  }
0x6f: {  	_ =	shalt  }
0x70: {  	_ =	shalt  }
0x71: {  	_ =	shalt  }
0x72: {  	_ =	shalt  }
0x73: {  	_ =	shalt  }
0x74: {  	_ =	shalt  }
0x75: {  	_ =	shalt  }
0x76: {  	_ =	shalt  }
0x77: {  	_ =	shalt  }
0x78: {  	_ =	shalt  }
0x79: {  	_ =	shalt  }
0x7a: {  	_ =	shalt  }
0x7b: {  	_ =	shalt  }
0x7c: {  	_ =	shalt  }
0x7d: {  	_ =	shalt  }
0x7e: {  	_ =	shalt  }
0x7f: {  	_ =	shalt  }
0x80: {  	_ =	shalt  }
0x81: {  	_ =	shalt  }
0x82: {  	_ =	shalt  }
0x83: {  	_ =	shalt  }
0x84: {  	_ =	shalt  }
0x85: {  	_ =	shalt  }
0x86: {  	_ =	shalt  }
0x87: {  	_ =	shalt  }
.Lfunc_end0:
.L_simem_size_0:
called_computation_lowered:
.L_overlay_start_0:
0x88: {  	s2 =	sld [smem:$0x3FD9]  }
0x89: {  	s3 =	sld [smem:$0x3FFE];
	_ =	sdelay $0x1  }
0x8a: {  	s1 =	srdreg.scid  }
0x8b: {  	s0 =	sand.u32 $0x1, s1  }
0x8c: {  	s17 =	sshll.u32 s0, $0xA;
	s2 =	sadd.s32 s3, s2  }
0x8d: {  	s2 =	sadd.s32 s2, s17  }
0x8e: {  	[smem:$0x3FBB] =	sst s2  }
0x8f: {  	_ = 	snop  }
0x90: {  	s2 =	sld [smem:$0x3FC9]  }
0x91: {  	s18 =	sld [smem:$0x3FC5]  }
0x92: {  	s4 =	sld [smem:$0x3FC4];
	(tm) =	ssettm $0x1  }
0x93: {  	s5 =	sld [smem:$0x3FFB];
	_ =	sdelay $0x3  }
0x94: {  	_ =	strace s5  }
0x95: {  	s5 =	sld [smem:$0x3FFC];
	_ =	sdelay $0x3  }
0x96: {  	_ =	strace s5  }
0x97: {  	s5 =	sld [smem:$0x3FFD];
	_ =	sdelay $0x3  }
0x98: {  	_ =	strace s5  }
0x99: {  	_ =	strace $0x8FFFFFFF  }
0x9a: {  	s19 =	sld [smem:$0x3FDB];
	_ =	sdelay $0x1  }
0x9b: {  	s6 =	simm.s32 $_scs_section_size  }
0x9c: {  	s7 =	simm.s32 $_size__tile_overlayer_lowered;
	s8 =	simm.s32 $_tile_overlayer_lowered  }
0x9d: {  	s22 =	simm.s32 $0x1BFF;
	s21 =	sshll.u32 s8, $0x1;
	s5 =	sadd.s32 s6, s19  }
0x9e: {  	s9 =	simm.s32 $0x0;
	s20 =	sshll.u32 s7, $0x1;
	s7 =	sadd.s32 s21, s5  }
0x9f: {  	[timem:s9], [sflag:s22] =	dma.local [hbm:s7], s20  }
0xa0: {  	_ =	swait.ge [sflag:s22], s20  }
0xa1: {  	s6 =	ssub.s32 $0x0, s20;
	[sflag:s22] =	ssyncset.done $0x0  }
0xa2: {  	[sflag:s22] =	ssyncadd.s32 s6;
	_ =	sdelay $0x1  }
0xa3: {  	s23 =	simm.s32 $0x1B8B  }
0xa4: {  	_ =	swait.ge [sflag:s23], $0x1  }
0xa5: {  	[sflag:s23] =	ssyncset.done $0x0  }
0xa6: {  	s25 =	simm.s32 $0x1B8E;
	s24 =	sld [smem:$0x3FFE];
	[sflag:s23] =	ssyncadd.s32 $0xFFFFFFFF  }
0xa7: {  	s26 =	simm.s32 $execute0_lowered;
	[smem:$0x3FD2] =	sst s25  }
0xa8: {  	s7 =	sshll.u32 s26, $0x1;
	_ =	strace $0x80000046;
	[dreg:$0x1] =	wrdreg $0xFFFFFFFF  }
0xa9: {  	s28 =	simm.s32 $_size_execute0_lowered;
	s5 =	sadd.s32 s5, s7;
	[dreg:$0x0] =	wrdreg $0x0  }
0xaa: {  	s7 =	sshll.u32 s28, $0x1;
	[dreg:$0x2] =	wrdreg s5  }
0xab: {  	[dreg:$0x3] =	wrdreg s7  }
0xac: {  	[dreg:$0x4] =	wrdreg $0xC0  }
0xad: {  	_ =	task [dreg:s9], $0x5FFFF  }
0xae: {  	[dreg:$0x1] =	wrdreg $0xFFFFFFFF  }
0xaf: {  	[dreg:$0x0] =	wrdreg $0x60  }
0xb0: {  	[dreg:$0x2] =	wrdreg s2  }
0xb1: {  	[dreg:$0x3] =	wrdreg s18  }
0xb2: {  	[dreg:$0x4] =	wrdreg s4  }
0xb3: {  	[dreg:$0x5] =	wrdreg s24  }
0xb4: {  	[dreg:$0x6] =	wrdreg $0x9  }
0xb5: {  	_ =	task.clear_ibuf [dreg:s9], $0x7FFFF;
	_ =	strace $0x90000046  }
0xb6: {  	s29 =	simm.s32 $0x9;
	_ =	strace $0x80000048  }
0xb7: {  	_ =	swait.ge [sflag:s29], $0x1  }
0xb8: {  	[sflag:s29] =	ssyncadd.s32 $0xFFFFFFFF  }
0xb9: {  	_ =	strace $0x90000048  }
0xba: {  	_ =	sfence  }
0xbb: {  	s30 =	sld [smem:$0x0];
	_ =	sdelay $0x2  }
0xbc: {  	s31 =	sshll.u32 s1, $0xD;
	s1 =	sshrl.u32 s1, $0x2  }
0xbd: {  	s3 =	sand.u32 $0x4000, s31;
	s1 =	sadd.s32 s1, s30  }
0xbe: {  	s0 =	sor.u32 s3, s0;
	s1 =	sshll.u32 s1, $0x11  }
0xbf: {  	s0 =	sor.u32 s1, s0  }
0xc0: {  	s0 =	sadd.s32 $0x8F2B, s0  }
0xc1: {  	[sflag:s0] =	ssyncadd.remote.s32 $0x1  }
0xc2: {  	_ =	sfence.sel $0xFFFF  }
0xc3: {  	[dreg:$0x0] =	wrdreg $0xFFFFFFFF;
	(pc) =	sbr.abs _section_cstart, $3  }
0xc4: {  	[dreg:$0x1] =	wrdreg $0xFFFFFFFF  }
0xc5: {  	_ =	task.clear_ibuf [dreg:s9], $0x2FFFF;
	_ =	strace $0x9FFFFFFF  }
0xc6: {  	(tm) =	ssettm $0x7FFFFFFF  }
0xc7: {  	_ =	shalt  }
tec
execute0_lowered:
.L_overlay_start_1:
0x0: {  	(tag) =	ssettag $0x1  }
0x1: {  	s7 =	rddreg [dreg:$0x0]  }
0x2: {  	s1 =	srdreg.scid;
	s8 =	rddreg [dreg:$0x1]  }
0x3: {  	s0 =	stileid.u32;
	s9 =	rddreg [dreg:$0x2]  }
0x4: {  	s5 =	rddreg [dreg:$0x3];
	s2 =	simm.s32 $0x0;
	s18 =	simm.f32 $1.000000000e+00  }
0x5: {  	s15 =	simm.s32 $0x8000;
	s16 =	simm.s32 $0xC000;
	s17 =	simm.s32 $0x1  }
0x6: {  	s19 =	simm.s32 $0x2;
	s3 =	sand.u32 $0x1, s1;
	s25 =	sshll.u32 s0, $0x1  }
0x7: {  	s20 =	simm.s32 $0x0;
	s6 =	smul.u32 $0x34, s0;
	s4 =	sor.u32 s3, s25  }
0x8: {  	[smem:$0x7FF] =	sst s2;
	s13 =	sadd.s32 $0x2A00, s5;
	s1 =	smul.u32 $0x1A, s4  }
0x9: {  	p0 =	slt.u32 s0, $0x4;
	s3 =	ssub.s32 $0x2, s3;
	s11 =	sor.u32 $0x20, s4  }
0xa: {  	s18 =	simm.s32 @!p0 $0x0;
	s12 =	smul.u32 $0x1A, s11;
	s10 =	sshrl.u32 s1, $0x8  }
0xb: {  	p0 =	sgt.u32 s0, $0x3;
	s6 =	sshrl.u32 s6, $0x8;
	s10 =	smul.u32 $0xA, s10  }
0xc: {  	s29 =	sshrl.u32 s3, $0x1;
	v0 =	vmov s18;
	s18 =	simm.s32 $0x10000;
	s6 =	smul.u32 $0x28000, s6  }
0xd: {  	s14 =	ssub.s32 s3, s29;
	s12 =	sshrl.u32 s12, $0x8;
	s10 =	ssub.s32 s4, s10  }
0xe: {  	s1 =	rddreg [dreg:$0x4];
	s26 =	smul.u32 $0xA, s12;
	s10 =	sand.u32 $0xFF, s10  }
0xf: {  	_ =	strace $0x80000047;
	s4 =	sshll.u32 s4, $0x4;
	s10 =	sshll.u32 s10, $0xE  }
0x10: {  	s28 =	sadd.s32 s4, s5;
	s6 =	sadd.s32 s6, s10;
	s10 =	ssub.s32 s11, s26  }
0x11: {  	s12 =	sadd.s32 $0x16C00, s28;
	s6 =	sshrl.u32 s6, $0x3;
	s10 =	sand.u32 $0xFF, s10  }
0x12: {  	s11 =	sadd.s32 $0x16A00, s28;
	s30 =	sadd.s32 $0x8C000, s6;
	s10 =	sshll.u32 s10, $0xB  }
0x13: {  	s6 =	sadd.s32 s13, s6;
	s3 =	sadd.s32 s7, s30;
	s4 =	sadd.s32 s8, s30  }
0x14: {  	s5 =	sadd.s32 s9, s30;
	s31 =	sadd.s32 $0x9B000, s10;
	s10 =	sadd.s32 s13, s10  }
0x15: {  	s13 =	smax.u32 s14, $0x1;
	s14 =	simm.s32 $0x4000;
	s7 =	sadd.s32 s7, s31  }
0x16: {  	s8 =	sadd.s32 s8, s31;
	s9 =	sadd.s32 s9, s31;
	s10 =	sadd.s32 $0xF000, s10  }
.LBB2_1:
0x17: {  	[tilespmem:s2], [sflag:$0x1] =	stream.linear.gather [hbm4b:s3+s2], $0x4000, $0x38;
	[tilespmem:$0x10080] =	vst v63  }
0x18: {  	_ = 	snop  }
0x19: {  	[tilespmem:s14], [sflag:$0x1] =	stream.linear.gather [hbm4b:s4+s2], $0x4000, $0x38;
	[tilespmem:$0x10080] =	vst v63  }
0x1a: {  	_ = 	snop  }
0x1b: {  	[tilespmem:s15], [sflag:$0x1] =	stream.linear.gather [hbm4b:s5+s2], $0x4000, $0x38;
	[tilespmem:$0x10080] =	vst v63  }
0x1c: {  	_ = 	snop  }
0x1d: {  	[tilespmem:s16], [sflag:$0x1] =	stream.linear.gather [hbm4b:s6+s2], $0x4000, $0x38;
	[tilespmem:$0x10080] =	vst v63  }
0x1e: {  	_ =	swait.ge [sflag:s17], $0x4000  }
0x1f: {  	[sflag:s17] =	ssyncset.done $0x0  }
0x20: {  	[sflag:s17] =	ssyncadd.s32 $0xFFFFC000  }
0x21: {  	_ =	swait.ge [sflag:s17], $0x4000  }
0x22: {  	[sflag:s17] =	ssyncset.done $0x0  }
0x23: {  	[sflag:s17] =	ssyncadd.s32 $0xFFFFC000  }
0x24: {  	_ =	swait.ge [sflag:s17], $0x4000  }
0x25: {  	[sflag:s17] =	ssyncset.done $0x0  }
0x26: {  	[sflag:s17] =	ssyncadd.s32 $0xFFFFC000  }
0x27: {  	_ =	swait.ge [sflag:s17], $0x4000  }
0x28: {  	s21 =	sand.u32 $0x70, s2;
	s22 =	sand.u32 $0x3C00, s2;
	[sflag:s17] =	ssyncset.done $0x0  }
0x29: {  	s21 =	sor.u32 s21, s22;
	[sflag:s17] =	ssyncadd.s32 $0xFFFFC000  }
0x2a: {  	v2 =	vld [tilespmem:s21+$0x0]  }
0x2b: {  	v3 =	vld [tilespmem:s21+$0x8000]  }
0x2c: {  	v4 =	vld [tilespmem:s21+$0x4000];
	_ =	sdelay $0x1  }
0x2d: {  	s29 =	simm.s32 $0x10;
	s23 =	simm.s32 $0x80  }
0x2e: {  	s30 =	sand.u32 $0x70, s29;
	s31 =	sand.u32 $0x3C00, s23;
	v1 =	vld [tilespmem:s21+$0xC000]  }
0x2f: {  	s21 =	sor.u32 s30, s31  }
0x30: {  	v6 =	vld [tilespmem:s21+$0x8000];
	v5 =	vsub.f32 v3, v2;
	v4 =	vsub.f32 v4, v2  }
0x31: {  	v2 =	vld [tilespmem:s21+$0x0]  }
0x32: {  	v7 =	vld [tilespmem:s21+$0x4000];
	v3 =	vimm.f32 $0.0e+00;
	v5 =	vand.u32 $0x7FFFFFFF, v5;
	v9 =	vand.u32 $0x7FFFFFFF, v4  }
0x33: {  	s22 =	simm.s32 $0x20;
	s23 =	simm.s32 $0x100;
	v4 =	vimm.f32 $0.0e+00;
	v8 =	vmul.f32 v5, v1;
	v5 =	vimm.f32 $0.0e+00  }
.LBB2_2:
0x34: {  	s24 =	sand.u32 $0x70, s22;
	s25 =	sand.u32 $0x3C00, s23;
	v10 =	vmul.f32 v9, v1;
	v1 =	vld [tilespmem:s21+$0xC000];
	p1 =	sne.s32 s22, $0x7F0  }
.Ltmp0:
0x35: {  	s22 =	sadd.s32 $0x10, s22;
	s21 =	sor.u32 s24, s25;
	v4 =	vadd.f32 v8, v4;
	(pc) =	sbr.rel @p1 .LBB2_2-.Ltmp0, $4  }
0x36: {  	v9 =	vmov v2;
	v8 =	vsub.f32 v6, v2;
	v5 =	vadd.f32 v10, v5;
	v2 =	vld [tilespmem:s21+$0x0]  }
0x37: {  	v6 =	vld [tilespmem:s21+$0x8000];
	v9 =	vsub.f32 v7, v9  }
0x38: {  	v7 =	vld [tilespmem:s21+$0x4000];
	v8 =	vand.u32 $0x7FFFFFFF, v8  }
0x39: {  	s23 =	sadd.s32 $0x80, s23;
	v9 =	vand.u32 $0x7FFFFFFF, v9;
	v8 =	vmul.f32 v8, v1  }
0x3a: {  	s22 =	simm.s32 $0x0  }
0x3b: {  	s23 =	sand.u32 $0x70, s22;
	s22 =	sand.u32 $0x3C00, s22  }
0x3c: {  	v10 =	vld [tilespmem:s21+$0xC000];
	s21 =	sor.u32 s22, s23  }
0x3d: {  	v11 =	vld [tilespmem:s21+$0x80]  }
0x3e: {  	v12 =	vld [tilespmem:s21+$0x8080]  }
0x3f: {  	v6 =	vsub.f32 v6, v2;
	v13 =	vld [tilespmem:s21+$0x4080];
	v2 =	vsub.f32 v7, v2  }
0x40: {  	v1 =	vmul.f32 v9, v1;
	s30 =	simm.s32 $0x10;
	s31 =	simm.s32 $0x80  }
0x41: {  	s22 =	sand.u32 $0x70, s30;
	s23 =	sand.u32 $0x3C00, s31;
	v7 =	vadd.f32 v8, v4;
	v4 =	vld [tilespmem:s21+$0xC080];
	v2 =	vand.u32 $0x7FFFFFFF, v2  }
0x42: {  	v8 =	vadd.f32 v1, v5;
	s24 =	sor.u32 s23, s22;
	v1 =	vand.u32 $0x7FFFFFFF, v6;
	v2 =	vmul.f32 v2, v10  }
0x43: {  	v5 =	vld [tilespmem:s24+$0x80];
	v1 =	vmul.f32 v1, v10;
	v6 =	vsub.f32 v12, v11  }
0x44: {  	v9 =	vsub.f32 v13, v11;
	v2 =	vadd.f32 v2, v8;
	v8 =	vld [tilespmem:s24+$0x8080]  }
0x45: {  	v1 =	vadd.f32 v1, v7;
	v7 =	vld [tilespmem:s24+$0x4080];
	v6 =	vand.u32 $0x7FFFFFFF, v6  }
0x46: {  	s25 =	simm.s32 $0x20;
	s26 =	simm.s32 $0x100;
	v10 =	vand.u32 $0x7FFFFFFF, v9;
	v9 =	vmul.f32 v6, v4;
	v6 =	vimm.f32 $0.0e+00  }
.LBB2_4:
0x47: {  	s28 =	sand.u32 $0x70, s25;
	s29 =	sand.u32 $0x3C00, s26;
	v11 =	vmul.f32 v10, v4;
	v4 =	vld [tilespmem:s24+$0xC080];
	p1 =	sne.s32 s25, $0x7F0  }
.Ltmp1:
0x48: {  	s25 =	sadd.s32 $0x10, s25;
	s24 =	sor.u32 s29, s28;
	v3 =	vadd.f32 v9, v3;
	(pc) =	sbr.rel @p1 .LBB2_4-.Ltmp1, $4  }
0x49: {  	v10 =	vmov v5;
	v9 =	vsub.f32 v8, v5;
	v6 =	vadd.f32 v11, v6;
	v5 =	vld [tilespmem:s24+$0x80]  }
0x4a: {  	v8 =	vld [tilespmem:s24+$0x8080];
	v10 =	vsub.f32 v7, v10  }
0x4b: {  	v7 =	vld [tilespmem:s24+$0x4080];
	v9 =	vand.u32 $0x7FFFFFFF, v9  }
0x4c: {  	s26 =	sadd.s32 $0x80, s26;
	v10 =	vand.u32 $0x7FFFFFFF, v10;
	v9 =	vmul.f32 v9, v4  }
0x4d: {  	v11 =	vld [tilespmem:s24+$0xC080]  }
0x4e: {  	v12 =	vld [tilespmem:s21+$0x100]  }
0x4f: {  	v13 =	vld [tilespmem:s21+$0x8100]  }
0x50: {  	v14 =	vld [tilespmem:s21+$0x4100]  }
0x51: {  	v8 =	vsub.f32 v8, v5  }
0x52: {  	v4 =	vmul.f32 v10, v4;
	v7 =	vsub.f32 v7, v5  }
0x53: {  	v3 =	vadd.f32 v9, v3;
	v5 =	vld [tilespmem:s21+$0xC100];
	v8 =	vand.u32 $0x7FFFFFFF, v8  }
0x54: {  	v4 =	vadd.f32 v4, v6;
	s21 =	sor.u32 s23, s22;
	v6 =	vand.u32 $0x7FFFFFFF, v7;
	v7 =	vmul.f32 v8, v11  }
0x55: {  	v10 =	vld [tilespmem:s21+$0x8100];
	v9 =	vsub.f32 v13, v12;
	v8 =	vmul.f32 v6, v11;
	v11 =	vsub.f32 v14, v12  }
0x56: {  	v6 =	vld [tilespmem:s21+$0x100];
	v3 =	vadd.f32 v7, v3;
	v7 =	vimm.f32 $0.0e+00  }
0x57: {  	v4 =	vadd.f32 v8, v4;
	v8 =	vand.u32 $0x7FFFFFFF, v9;
	v13 =	vand.u32 $0x7FFFFFFF, v11;
	v11 =	vld [tilespmem:s21+$0x4100]  }
0x58: {  	s22 =	simm.s32 $0x20;
	s23 =	simm.s32 $0x100;
	v9 =	vimm.f32 $0.0e+00;
	v12 =	vmul.f32 v8, v5;
	v8 =	vimm.f32 $0.0e+00  }
.LBB2_6:
0x59: {  	s24 =	sand.u32 $0x70, s22;
	s25 =	sand.u32 $0x3C00, s23;
	v14 =	vmul.f32 v13, v5;
	v5 =	vld [tilespmem:s21+$0xC100];
	p1 =	sne.s32 s22, $0x7F0  }
.Ltmp2:
0x5a: {  	s22 =	sadd.s32 $0x10, s22;
	s21 =	sor.u32 s25, s24;
	v8 =	vadd.f32 v12, v8;
	(pc) =	sbr.rel @p1 .LBB2_6-.Ltmp2, $4  }
0x5b: {  	v13 =	vmov v6;
	v12 =	vsub.f32 v10, v6;
	v9 =	vadd.f32 v14, v9;
	v6 =	vld [tilespmem:s21+$0x100]  }
0x5c: {  	v10 =	vld [tilespmem:s21+$0x8100];
	v13 =	vsub.f32 v11, v13  }
0x5d: {  	v11 =	vld [tilespmem:s21+$0x4100];
	v12 =	vand.u32 $0x7FFFFFFF, v12  }
0x5e: {  	s23 =	sadd.s32 $0x80, s23;
	v13 =	vand.u32 $0x7FFFFFFF, v13;
	v12 =	vmul.f32 v12, v5  }
0x5f: {  	s22 =	simm.s32 $0x0  }
0x60: {  	s23 =	sand.u32 $0x70, s22;
	s22 =	sand.u32 $0x3C00, s22  }
0x61: {  	v14 =	vld [tilespmem:s21+$0xC100];
	s21 =	sor.u32 s22, s23  }
0x62: {  	v15 =	vld [tilespmem:s21+$0x180]  }
0x63: {  	v16 =	vld [tilespmem:s21+$0x8180]  }
0x64: {  	v10 =	vsub.f32 v10, v6;
	v17 =	vld [tilespmem:s21+$0x4180];
	v6 =	vsub.f32 v11, v6  }
0x65: {  	v5 =	vmul.f32 v13, v5;
	s30 =	simm.s32 $0x10;
	s31 =	simm.s32 $0x80  }
0x66: {  	s22 =	sand.u32 $0x70, s30;
	s23 =	sand.u32 $0x3C00, s31;
	v11 =	vadd.f32 v12, v8;
	v8 =	vld [tilespmem:s21+$0xC180];
	v6 =	vand.u32 $0x7FFFFFFF, v6  }
0x67: {  	v12 =	vadd.f32 v5, v9;
	s24 =	sor.u32 s23, s22;
	v5 =	vand.u32 $0x7FFFFFFF, v10;
	v6 =	vmul.f32 v6, v14  }
0x68: {  	v9 =	vld [tilespmem:s24+$0x180];
	v5 =	vmul.f32 v5, v14;
	v10 =	vsub.f32 v16, v15  }
0x69: {  	v13 =	vsub.f32 v17, v15;
	v6 =	vadd.f32 v6, v12;
	v12 =	vld [tilespmem:s24+$0x8180]  }
0x6a: {  	v5 =	vadd.f32 v5, v11;
	v11 =	vld [tilespmem:s24+$0x4180];
	v10 =	vand.u32 $0x7FFFFFFF, v10  }
0x6b: {  	s25 =	simm.s32 $0x20;
	s26 =	simm.s32 $0x100;
	v14 =	vand.u32 $0x7FFFFFFF, v13;
	v13 =	vmul.f32 v10, v8;
	v10 =	vimm.f32 $0.0e+00  }
.LBB2_8:
0x6c: {  	s28 =	sand.u32 $0x70, s25;
	s29 =	sand.u32 $0x3C00, s26;
	v15 =	vmul.f32 v14, v8;
	v8 =	vld [tilespmem:s24+$0xC180];
	p1 =	sne.s32 s25, $0x7F0  }
.Ltmp3:
0x6d: {  	s25 =	sadd.s32 $0x10, s25;
	s24 =	sor.u32 s29, s28;
	v7 =	vadd.f32 v13, v7;
	(pc) =	sbr.rel @p1 .LBB2_8-.Ltmp3, $4  }
0x6e: {  	v14 =	vmov v9;
	v13 =	vsub.f32 v12, v9;
	v10 =	vadd.f32 v15, v10;
	v9 =	vld [tilespmem:s24+$0x180]  }
0x6f: {  	v12 =	vld [tilespmem:s24+$0x8180];
	v14 =	vsub.f32 v11, v14  }
0x70: {  	v11 =	vld [tilespmem:s24+$0x4180];
	v13 =	vand.u32 $0x7FFFFFFF, v13  }
0x71: {  	s26 =	sadd.s32 $0x80, s26;
	v14 =	vand.u32 $0x7FFFFFFF, v14;
	v13 =	vmul.f32 v13, v8  }
0x72: {  	v15 =	vld [tilespmem:s24+$0xC180]  }
0x73: {  	v16 =	vld [tilespmem:s21+$0x200]  }
0x74: {  	v17 =	vld [tilespmem:s21+$0x8200]  }
0x75: {  	v18 =	vld [tilespmem:s21+$0x4200]  }
0x76: {  	v12 =	vsub.f32 v12, v9  }
0x77: {  	v8 =	vmul.f32 v14, v8;
	v11 =	vsub.f32 v11, v9  }
0x78: {  	v7 =	vadd.f32 v13, v7;
	v9 =	vld [tilespmem:s21+$0xC200];
	v12 =	vand.u32 $0x7FFFFFFF, v12  }
0x79: {  	v8 =	vadd.f32 v8, v10;
	s21 =	sor.u32 s23, s22;
	v10 =	vand.u32 $0x7FFFFFFF, v11;
	v11 =	vmul.f32 v12, v15  }
0x7a: {  	v14 =	vld [tilespmem:s21+$0x8200];
	v13 =	vsub.f32 v17, v16;
	v12 =	vmul.f32 v10, v15;
	v15 =	vsub.f32 v18, v16  }
0x7b: {  	v10 =	vld [tilespmem:s21+$0x200];
	v7 =	vadd.f32 v11, v7;
	v11 =	vimm.f32 $0.0e+00  }
0x7c: {  	v8 =	vadd.f32 v12, v8;
	v12 =	vand.u32 $0x7FFFFFFF, v13;
	v17 =	vand.u32 $0x7FFFFFFF, v15;
	v15 =	vld [tilespmem:s21+$0x4200]  }
0x7d: {  	s22 =	simm.s32 $0x20;
	s23 =	simm.s32 $0x100;
	v13 =	vimm.f32 $0.0e+00;
	v16 =	vmul.f32 v12, v9;
	v12 =	vimm.f32 $0.0e+00  }
.LBB2_10:
0x7e: {  	s24 =	sand.u32 $0x70, s22;
	s25 =	sand.u32 $0x3C00, s23;
	v18 =	vmul.f32 v17, v9;
	v9 =	vld [tilespmem:s21+$0xC200];
	p1 =	sne.s32 s22, $0x7F0  }
.Ltmp4:
0x7f: {  	s22 =	sadd.s32 $0x10, s22;
	s21 =	sor.u32 s25, s24;
	v12 =	vadd.f32 v16, v12;
	(pc) =	sbr.rel @p1 .LBB2_10-.Ltmp4, $4  }
0x80: {  	v17 =	vmov v10;
	v16 =	vsub.f32 v14, v10;
	v13 =	vadd.f32 v18, v13;
	v10 =	vld [tilespmem:s21+$0x200]  }
0x81: {  	v14 =	vld [tilespmem:s21+$0x8200];
	v17 =	vsub.f32 v15, v17  }
0x82: {  	v15 =	vld [tilespmem:s21+$0x4200];
	v16 =	vand.u32 $0x7FFFFFFF, v16  }
0x83: {  	s23 =	sadd.s32 $0x80, s23;
	v17 =	vand.u32 $0x7FFFFFFF, v17;
	v16 =	vmul.f32 v16, v9  }
0x84: {  	s22 =	simm.s32 $0x0  }
0x85: {  	s23 =	sand.u32 $0x70, s22;
	s22 =	sand.u32 $0x3C00, s22  }
0x86: {  	v18 =	vld [tilespmem:s21+$0xC200];
	s21 =	sor.u32 s22, s23  }
0x87: {  	v19 =	vld [tilespmem:s21+$0x280]  }
0x88: {  	v20 =	vld [tilespmem:s21+$0x8280]  }
0x89: {  	v14 =	vsub.f32 v14, v10;
	v21 =	vld [tilespmem:s21+$0x4280];
	v10 =	vsub.f32 v15, v10  }
0x8a: {  	v9 =	vmul.f32 v17, v9;
	s30 =	simm.s32 $0x10;
	s31 =	simm.s32 $0x80  }
0x8b: {  	s22 =	sand.u32 $0x70, s30;
	s23 =	sand.u32 $0x3C00, s31;
	v15 =	vadd.f32 v16, v12;
	v12 =	vld [tilespmem:s21+$0xC280];
	v10 =	vand.u32 $0x7FFFFFFF, v10  }
0x8c: {  	v16 =	vadd.f32 v9, v13;
	s24 =	sor.u32 s23, s22;
	v9 =	vand.u32 $0x7FFFFFFF, v14;
	v10 =	vmul.f32 v10, v18  }
0x8d: {  	v13 =	vld [tilespmem:s24+$0x280];
	v9 =	vmul.f32 v9, v18;
	v14 =	vsub.f32 v20, v19  }
0x8e: {  	v17 =	vsub.f32 v21, v19;
	v10 =	vadd.f32 v10, v16;
	v16 =	vld [tilespmem:s24+$0x8280]  }
0x8f: {  	v9 =	vadd.f32 v9, v15;
	v15 =	vand.u32 $0x7FFFFFFF, v14;
	v14 =	vld [tilespmem:s24+$0x4280]  }
0x90: {  	s25 =	simm.s32 $0x20;
	s26 =	simm.s32 $0x100;
	v18 =	vand.u32 $0x7FFFFFFF, v17;
	v17 =	vmul.f32 v15, v12;
	v15 =	vimm.f32 $0.0e+00  }
.LBB2_12:
0x91: {  	s28 =	sand.u32 $0x70, s25;
	s29 =	sand.u32 $0x3C00, s26;
	v19 =	vmul.f32 v18, v12;
	v12 =	vld [tilespmem:s24+$0xC280];
	p1 =	sne.s32 s25, $0x7F0  }
.Ltmp5:
0x92: {  	s25 =	sadd.s32 $0x10, s25;
	s24 =	sor.u32 s29, s28;
	v11 =	vadd.f32 v17, v11;
	(pc) =	sbr.rel @p1 .LBB2_12-.Ltmp5, $4  }
0x93: {  	v18 =	vmov v13;
	v17 =	vsub.f32 v16, v13;
	v15 =	vadd.f32 v19, v15;
	v13 =	vld [tilespmem:s24+$0x280]  }
0x94: {  	v16 =	vld [tilespmem:s24+$0x8280];
	v18 =	vsub.f32 v14, v18  }
0x95: {  	v14 =	vld [tilespmem:s24+$0x4280];
	v17 =	vand.u32 $0x7FFFFFFF, v17  }
0x96: {  	s26 =	sadd.s32 $0x80, s26;
	v18 =	vand.u32 $0x7FFFFFFF, v18;
	v17 =	vmul.f32 v17, v12  }
0x97: {  	v19 =	vld [tilespmem:s24+$0xC280]  }
0x98: {  	v20 =	vld [tilespmem:s21+$0x300]  }
0x99: {  	v21 =	vld [tilespmem:s21+$0x8300]  }
0x9a: {  	v22 =	vld [tilespmem:s21+$0x4300]  }
0x9b: {  	v16 =	vsub.f32 v16, v13  }
0x9c: {  	v12 =	vmul.f32 v18, v12;
	v13 =	vsub.f32 v14, v13  }
0x9d: {  	v11 =	vadd.f32 v17, v11;
	v14 =	vld [tilespmem:s21+$0xC300];
	v16 =	vand.u32 $0x7FFFFFFF, v16  }
0x9e: {  	v12 =	vadd.f32 v12, v15;
	s21 =	sor.u32 s23, s22;
	v13 =	vand.u32 $0x7FFFFFFF, v13;
	v15 =	vmul.f32 v16, v19  }
0x9f: {  	v18 =	vld [tilespmem:s21+$0x8300];
	v17 =	vmul.f32 v13, v19;
	v19 =	vsub.f32 v21, v20;
	v20 =	vsub.f32 v22, v20  }
0xa0: {  	v16 =	vld [tilespmem:s21+$0x300];
	v13 =	vimm.f32 $0.0e+00;
	v11 =	vadd.f32 v15, v11  }
0xa1: {  	v12 =	vadd.f32 v17, v12;
	v15 =	vand.u32 $0x7FFFFFFF, v19;
	v21 =	vand.u32 $0x7FFFFFFF, v20;
	v19 =	vld [tilespmem:s21+$0x4300]  }
0xa2: {  	s22 =	simm.s32 $0x20;
	s23 =	simm.s32 $0x100;
	v17 =	vimm.f32 $0.0e+00;
	v20 =	vmul.f32 v15, v14;
	v15 =	vimm.f32 $0.0e+00  }
.LBB2_14:
0xa3: {  	s24 =	sand.u32 $0x70, s22;
	s25 =	sand.u32 $0x3C00, s23;
	v22 =	vmul.f32 v21, v14;
	v14 =	vld [tilespmem:s21+$0xC300];
	p1 =	sne.s32 s22, $0x7F0  }
.Ltmp6:
0xa4: {  	s22 =	sadd.s32 $0x10, s22;
	s21 =	sor.u32 s25, s24;
	v17 =	vadd.f32 v20, v17;
	(pc) =	sbr.rel @p1 .LBB2_14-.Ltmp6, $4  }
0xa5: {  	v21 =	vmov v16;
	v20 =	vsub.f32 v18, v16;
	v15 =	vadd.f32 v22, v15;
	v16 =	vld [tilespmem:s21+$0x300]  }
0xa6: {  	v18 =	vld [tilespmem:s21+$0x8300];
	v21 =	vsub.f32 v19, v21  }
0xa7: {  	v19 =	vld [tilespmem:s21+$0x4300];
	v20 =	vand.u32 $0x7FFFFFFF, v20  }
0xa8: {  	s23 =	sadd.s32 $0x80, s23;
	v21 =	vand.u32 $0x7FFFFFFF, v21;
	v20 =	vmul.f32 v20, v14  }
0xa9: {  	s22 =	simm.s32 $0x0  }
0xaa: {  	s22 =	sand.u32 $0x7, s22  }
0xab: {  	s22 =	sshll.u32 s22, $0x4  }
0xac: {  	s22 =	sadd.s32 $0x0, s22  }
0xad: {  	v22 =	vld [tilespmem:s21+$0xC300];
	s30 =	sor.u32 $0x380, s22  }
0xae: {  	v23 =	vld [tilespmem:s30+$0x0]  }
0xaf: {  	s31 =	simm.s32 $0x1;
	v18 =	vsub.f32 v18, v16;
	v16 =	vsub.f32 v19, v16;
	v19 =	vld [tilespmem:s30+$0x8000]  }
0xb0: {  	v14 =	vmul.f32 v21, v14;
	s22 =	sand.u32 $0x7, s31;
	v24 =	vld [tilespmem:s30+$0x4000]  }
0xb1: {  	v18 =	vand.u32 $0x7FFFFFFF, v18;
	v16 =	vand.u32 $0x7FFFFFFF, v16;
	s22 =	sshll.u32 s22, $0x4  }
0xb2: {  	v15 =	vadd.f32 v14, v15;
	v14 =	vmul.f32 v18, v22;
	v18 =	vmul.f32 v16, v22;
	s22 =	sadd.s32 $0x80, s22;
	v16 =	vld [tilespmem:s30+$0xC000]  }
0xb3: {  	v17 =	vadd.f32 v20, v17;
	s21 =	sor.u32 $0x380, s22  }
0xb4: {  	v15 =	vadd.f32 v18, v15;
	v18 =	vld [tilespmem:s21+$0x0];
	v21 =	vsub.f32 v19, v23  }
0xb5: {  	s23 =	simm.s32 $0x20;
	s24 =	simm.s32 $0x2;
	v14 =	vadd.f32 v14, v17;
	s22 =	simm.s32 $0x80;
	v17 =	vimm.f32 $0.0e+00;
	v19 =	vld [tilespmem:s21+$0x8000];
	v20 =	vsub.f32 v24, v23  }
.LBB2_16:
0xb6: {  	s25 =	sand.u32 $0x7, s24;
	v22 =	vld [tilespmem:s21+$0x4000];
	s22 =	sadd.s32 $0x80, s22;
	v21 =	vand.u32 $0x7FFFFFFF, v21;
	p1 =	sne.s32 s23, $0x7F0  }
.Ltmp7:
0xb7: {  	s23 =	sadd.s32 $0x10, s23;
	s25 =	sshll.u32 s25, $0x4;
	v20 =	vand.u32 $0x7FFFFFFF, v20;
	v21 =	vmul.f32 v21, v16;
	(pc) =	sbr.rel @p1 .LBB2_16-.Ltmp7, $4  }
0xb8: {  	s25 =	sadd.s32 s25, s22;
	v20 =	vmul.f32 v20, v16;
	v16 =	vld [tilespmem:s21+$0xC000]  }
0xb9: {  	s21 =	sor.u32 $0x380, s25;
	v13 =	vadd.f32 v21, v13;
	v23 =	vmov v18  }
0xba: {  	v18 =	vld [tilespmem:s21+$0x0];
	v21 =	vsub.f32 v19, v23;
	v17 =	vadd.f32 v20, v17  }
0xbb: {  	s24 =	sadd.s32 $0x1, s24;
	v19 =	vld [tilespmem:s21+$0x8000];
	v20 =	vsub.f32 v22, v23  }
0xbc: {  	v22 =	vld [tilespmem:s21+$0x4000]  }
0xbd: {  	v23 =	vld [tilespmem:s21+$0xC000];
	s21 =	simm.s32 @!p0 $0x0  }
0xbe: {  	[tilespmem:s21], [sflag:$0x1] =	stream.linear.gather @!p0 [hbm4b:s7+s21], $0x4000, $0x38;
	[tilespmem:$0x10080] =	vst v63  }
0xbf: {  	s22 =	simm.s32 @!p0 $0x4000  }
0xc0: {  	[tilespmem:s22], [sflag:$0x1] =	stream.linear.gather @!p0 [hbm4b:s8+s21], $0x4000, $0x38;
	[tilespmem:$0x10080] =	vst v63  }
0xc1: {  	s22 =	simm.s32 @!p0 $0x8000  }
0xc2: {  	[tilespmem:s22], [sflag:$0x1] =	stream.linear.gather @!p0 [hbm4b:s9+s21], $0x4000, $0x38;
	[tilespmem:$0x10080] =	vst v63  }
0xc3: {  	s23 =	simm.s32 @!p0 $0x1;
	s22 =	simm.s32 @!p0 $0xC000  }
0xc4: {  	[tilespmem:s22], [sflag:$0x1] =	stream.linear.gather @!p0 [hbm4b:s10+s21], $0x4000, $0x38;
	[tilespmem:$0x10080] =	vst v63  }
0xc5: {  	_ =	swait.ge @!p0 [sflag:s23], $0x4000  }
0xc6: {  	[sflag:s23] =	ssyncset.done @!p0 $0x0  }
0xc7: {  	[sflag:s23] =	ssyncadd.s32 @!p0 $0xFFFFC000  }
0xc8: {  	_ =	swait.ge @!p0 [sflag:s23], $0x4000  }
0xc9: {  	v1 =	vadd.f32 $0.0e+00, v1;
	[sflag:s23] =	ssyncset.done @!p0 $0x0  }
0xca: {  	v2 =	vadd.f32 $0.0e+00, v2;
	[sflag:s23] =	ssyncadd.s32 @!p0 $0xFFFFC000  }
0xcb: {  	v1 =	vadd.f32 v3, v1;
	_ =	swait.ge @!p0 [sflag:s23], $0x4000  }
0xcc: {  	v2 =	vadd.f32 v4, v2;
	[sflag:s23] =	ssyncset.done @!p0 $0x0  }
0xcd: {  	v1 =	vadd.f32 v5, v1;
	[sflag:s23] =	ssyncadd.s32 @!p0 $0xFFFFC000  }
0xce: {  	s30 =	simm.s32 $0x0;
	v2 =	vadd.f32 v6, v2;
	_ =	swait.ge @!p0 [sflag:s23], $0x4000  }
0xcf: {  	v3 =	vand.u32 $0x7FFFFFFF, v21;
	v4 =	vsub.f32 v19, v18;
	v1 =	vadd.f32 v7, v1;
	s21 =	sand.u32 $0x70, s30;
	s22 =	sand.u32 $0x3C00, s30;
	[sflag:s23] =	ssyncset.done @!p0 $0x0  }
0xd0: {  	v3 =	vmul.f32 v3, v16;
	v6 =	vand.u32 $0x7FFFFFFF, v20;
	v5 =	vsub.f32 v22, v18;
	s31 =	sor.u32 s21, s22;
	[sflag:s23] =	ssyncadd.s32 @!p0 $0xFFFFC000  }
0xd1: {  	v2 =	vadd.f32 v8, v2;
	v4 =	vand.u32 $0x7FFFFFFF, v4;
	v1 =	vadd.f32 v9, v1;
	v7 =	vld [tilespmem:s31+$0x0]  }
0xd2: {  	v6 =	vmul.f32 v6, v16;
	v3 =	vadd.f32 v3, v13;
	v4 =	vmul.f32 v4, v23;
	v8 =	vld [tilespmem:s31+$0x8000]  }
0xd3: {  	v5 =	vand.u32 $0x7FFFFFFF, v5;
	v2 =	vadd.f32 v10, v2;
	v1 =	vadd.f32 v11, v1;
	v9 =	vld [tilespmem:s31+$0x4000]  }
0xd4: {  	v6 =	vadd.f32 v6, v17;
	v5 =	vmul.f32 v5, v23;
	v4 =	vadd.f32 v4, v3  }
0xd5: {  	s24 =	simm.s32 $0x10;
	s25 =	simm.s32 $0x80;
	v2 =	vadd.f32 v12, v2;
	v1 =	vadd.f32 v14, v1  }
0xd6: {  	v5 =	vadd.f32 v5, v6;
	s23 =	sand.u32 $0x70, s24;
	s24 =	sand.u32 $0x3C00, s25;
	v3 =	vld [tilespmem:s31+$0xC000]  }
0xd7: {  	v2 =	vadd.f32 v15, v2;
	v1 =	vadd.f32 v4, v1;
	s25 =	sor.u32 s23, s24  }
0xd8: {  	v4 =	vld [tilespmem:s25+$0x0];
	v6 =	vsub.f32 v8, v7;
	v7 =	vsub.f32 v9, v7  }
0xd9: {  	v2 =	vadd.f32 v5, v2;
	v8 =	vld [tilespmem:s25+$0x8000]  }
0xda: {  	v5 =	vimm.f32 $0.0e+00;
	v9 =	vld [tilespmem:s25+$0x4000];
	v6 =	vand.u32 $0x7FFFFFFF, v6;
	v11 =	vand.u32 $0x7FFFFFFF, v7  }
0xdb: {  	s26 =	simm.s32 $0x20;
	s28 =	simm.s32 $0x100;
	v7 =	vimm.f32 $0.0e+00;
	v10 =	vmul.f32 v6, v3;
	v6 =	vimm.f32 $0.0e+00  }
.LBB2_18:
0xdc: {  	s29 =	sand.u32 $0x70, s26;
	s30 =	sand.u32 $0x3C00, s28;
	v12 =	vmul.f32 v11, v3;
	v3 =	vld [tilespmem:s25+$0xC000];
	p1 =	sne.s32 s26, $0x7F0  }
.Ltmp8:
0xdd: {  	s26 =	sadd.s32 $0x10, s26;
	s25 =	sor.u32 s29, s30;
	v6 =	vadd.f32 v10, v6;
	(pc) =	sbr.rel @p1 .LBB2_18-.Ltmp8, $4  }
0xde: {  	v11 =	vmov v4;
	v10 =	vsub.f32 v8, v4;
	v7 =	vadd.f32 v12, v7;
	v4 =	vld [tilespmem:s25+$0x0]  }
0xdf: {  	v8 =	vld [tilespmem:s25+$0x8000];
	v11 =	vsub.f32 v9, v11  }
0xe0: {  	v9 =	vld [tilespmem:s25+$0x4000];
	v10 =	vand.u32 $0x7FFFFFFF, v10  }
0xe1: {  	s28 =	sadd.s32 $0x80, s28;
	v11 =	vand.u32 $0x7FFFFFFF, v11;
	v10 =	vmul.f32 v10, v3  }
0xe2: {  	v12 =	vld [tilespmem:s25+$0xC000];
	s21 =	sor.u32 s22, s21  }
0xe3: {  	v13 =	vld [tilespmem:s21+$0x80]  }
0xe4: {  	v14 =	vld [tilespmem:s21+$0x8080]  }
0xe5: {  	v15 =	vld [tilespmem:s21+$0x4080];
	v8 =	vsub.f32 v8, v4;
	v4 =	vsub.f32 v9, v4  }
0xe6: {  	v3 =	vmul.f32 v11, v3  }
0xe7: {  	v9 =	vadd.f32 v10, v6;
	v6 =	vld [tilespmem:s21+$0xC080];
	v4 =	vand.u32 $0x7FFFFFFF, v4  }
0xe8: {  	v10 =	vadd.f32 v3, v7;
	s21 =	sor.u32 s24, s23;
	v3 =	vand.u32 $0x7FFFFFFF, v8;
	v4 =	vmul.f32 v4, v12  }
0xe9: {  	v7 =	vld [tilespmem:s21+$0x80];
	v3 =	vmul.f32 v3, v12;
	v8 =	vsub.f32 v14, v13  }
0xea: {  	v11 =	vsub.f32 v15, v13;
	v4 =	vadd.f32 v4, v10;
	v10 =	vld [tilespmem:s21+$0x8080]  }
0xeb: {  	v3 =	vadd.f32 v3, v9;
	v9 =	vld [tilespmem:s21+$0x4080];
	v8 =	vand.u32 $0x7FFFFFFF, v8  }
0xec: {  	s22 =	simm.s32 $0x20;
	s23 =	simm.s32 $0x100;
	v12 =	vand.u32 $0x7FFFFFFF, v11;
	v11 =	vmul.f32 v8, v6;
	v8 =	vimm.f32 $0.0e+00  }
.LBB2_20:
0xed: {  	s24 =	sand.u32 $0x70, s22;
	s25 =	sand.u32 $0x3C00, s23;
	v13 =	vmul.f32 v12, v6;
	v6 =	vld [tilespmem:s21+$0xC080];
	p1 =	sne.s32 s22, $0x7F0  }
.Ltmp9:
0xee: {  	s22 =	sadd.s32 $0x10, s22;
	s21 =	sor.u32 s25, s24;
	v5 =	vadd.f32 v11, v5;
	(pc) =	sbr.rel @p1 .LBB2_20-.Ltmp9, $4  }
0xef: {  	v12 =	vmov v7;
	v11 =	vsub.f32 v10, v7;
	v8 =	vadd.f32 v13, v8;
	v7 =	vld [tilespmem:s21+$0x80]  }
0xf0: {  	v10 =	vld [tilespmem:s21+$0x8080];
	v12 =	vsub.f32 v9, v12  }
0xf1: {  	v9 =	vld [tilespmem:s21+$0x4080];
	v11 =	vand.u32 $0x7FFFFFFF, v11  }
0xf2: {  	s23 =	sadd.s32 $0x80, s23;
	v12 =	vand.u32 $0x7FFFFFFF, v12;
	v11 =	vmul.f32 v11, v6  }
0xf3: {  	s22 =	simm.s32 $0x0  }
0xf4: {  	s23 =	sand.u32 $0x70, s22;
	s22 =	sand.u32 $0x3C00, s22  }
0xf5: {  	v13 =	vld [tilespmem:s21+$0xC080];
	s21 =	sor.u32 s22, s23  }
0xf6: {  	v14 =	vld [tilespmem:s21+$0x100]  }
0xf7: {  	v15 =	vld [tilespmem:s21+$0x8100]  }
0xf8: {  	v16 =	vld [tilespmem:s21+$0x4100]  }
0xf9: {  	v10 =	vsub.f32 v10, v7  }
0xfa: {  	v6 =	vmul.f32 v12, v6;
	s30 =	simm.s32 $0x10;
	s31 =	simm.s32 $0x80;
	v9 =	vsub.f32 v9, v7  }
0xfb: {  	v5 =	vadd.f32 v11, v5;
	s22 =	sand.u32 $0x70, s30;
	s23 =	sand.u32 $0x3C00, s31;
	v7 =	vld [tilespmem:s21+$0xC100];
	v10 =	vand.u32 $0x7FFFFFFF, v10  }
0xfc: {  	v6 =	vadd.f32 v6, v8;
	s24 =	sor.u32 s23, s22;
	v8 =	vand.u32 $0x7FFFFFFF, v9;
	v9 =	vmul.f32 v10, v13  }
0xfd: {  	v12 =	vld [tilespmem:s24+$0x8100];
	v10 =	vmul.f32 v8, v13;
	v11 =	vsub.f32 v15, v14;
	v13 =	vsub.f32 v16, v14  }
0xfe: {  	v8 =	vld [tilespmem:s24+$0x100];
	v5 =	vadd.f32 v9, v5;
	v9 =	vimm.f32 $0.0e+00  }
0xff: {  	v6 =	vadd.f32 v10, v6;
	v10 =	vand.u32 $0x7FFFFFFF, v11;
	v15 =	vand.u32 $0x7FFFFFFF, v13;
	v13 =	vld [tilespmem:s24+$0x4100]  }
0x100: {  	s25 =	simm.s32 $0x20;
	s26 =	simm.s32 $0x100;
	v11 =	vimm.f32 $0.0e+00;
	v14 =	vmul.f32 v10, v7;
	v10 =	vimm.f32 $0.0e+00  }
.LBB2_22:
0x101: {  	s28 =	sand.u32 $0x70, s25;
	s29 =	sand.u32 $0x3C00, s26;
	v16 =	vmul.f32 v15, v7;
	v7 =	vld [tilespmem:s24+$0xC100];
	p1 =	sne.s32 s25, $0x7F0  }
.Ltmp10:
0x102: {  	s25 =	sadd.s32 $0x10, s25;
	s24 =	sor.u32 s29, s28;
	v10 =	vadd.f32 v14, v10;
	(pc) =	sbr.rel @p1 .LBB2_22-.Ltmp10, $4  }
0x103: {  	v15 =	vmov v8;
	v14 =	vsub.f32 v12, v8;
	v11 =	vadd.f32 v16, v11;
	v8 =	vld [tilespmem:s24+$0x100]  }
0x104: {  	v12 =	vld [tilespmem:s24+$0x8100];
	v15 =	vsub.f32 v13, v15  }
0x105: {  	v13 =	vld [tilespmem:s24+$0x4100];
	v14 =	vand.u32 $0x7FFFFFFF, v14  }
0x106: {  	s26 =	sadd.s32 $0x80, s26;
	v15 =	vand.u32 $0x7FFFFFFF, v15;
	v14 =	vmul.f32 v14, v7  }
0x107: {  	v16 =	vld [tilespmem:s24+$0xC100]  }
0x108: {  	v17 =	vld [tilespmem:s21+$0x180]  }
0x109: {  	v18 =	vld [tilespmem:s21+$0x8180]  }
0x10a: {  	v19 =	vld [tilespmem:s21+$0x4180];
	v12 =	vsub.f32 v12, v8;
	v8 =	vsub.f32 v13, v8  }
0x10b: {  	v7 =	vmul.f32 v15, v7  }
0x10c: {  	v13 =	vadd.f32 v14, v10;
	v10 =	vld [tilespmem:s21+$0xC180];
	v8 =	vand.u32 $0x7FFFFFFF, v8  }
0x10d: {  	v14 =	vadd.f32 v7, v11;
	s21 =	sor.u32 s23, s22;
	v7 =	vand.u32 $0x7FFFFFFF, v12;
	v8 =	vmul.f32 v8, v16  }
0x10e: {  	v11 =	vld [tilespmem:s21+$0x180];
	v7 =	vmul.f32 v7, v16;
	v12 =	vsub.f32 v18, v17  }
0x10f: {  	v15 =	vsub.f32 v19, v17;
	v8 =	vadd.f32 v8, v14;
	v14 =	vld [tilespmem:s21+$0x8180]  }
0x110: {  	v7 =	vadd.f32 v7, v13;
	v12 =	vand.u32 $0x7FFFFFFF, v12;
	v13 =	vld [tilespmem:s21+$0x4180]  }
0x111: {  	s22 =	simm.s32 $0x20;
	s23 =	simm.s32 $0x100;
	v16 =	vand.u32 $0x7FFFFFFF, v15;
	v15 =	vmul.f32 v12, v10;
	v12 =	vimm.f32 $0.0e+00  }
.LBB2_24:
0x112: {  	s24 =	sand.u32 $0x70, s22;
	s25 =	sand.u32 $0x3C00, s23;
	v17 =	vmul.f32 v16, v10;
	v10 =	vld [tilespmem:s21+$0xC180];
	p1 =	sne.s32 s22, $0x7F0  }
.Ltmp11:
0x113: {  	s22 =	sadd.s32 $0x10, s22;
	s21 =	sor.u32 s25, s24;
	v9 =	vadd.f32 v15, v9;
	(pc) =	sbr.rel @p1 .LBB2_24-.Ltmp11, $4  }
0x114: {  	v16 =	vmov v11;
	v15 =	vsub.f32 v14, v11;
	v12 =	vadd.f32 v17, v12;
	v11 =	vld [tilespmem:s21+$0x180]  }
0x115: {  	v14 =	vld [tilespmem:s21+$0x8180];
	v16 =	vsub.f32 v13, v16  }
0x116: {  	v13 =	vld [tilespmem:s21+$0x4180];
	v15 =	vand.u32 $0x7FFFFFFF, v15  }
0x117: {  	s23 =	sadd.s32 $0x80, s23;
	v16 =	vand.u32 $0x7FFFFFFF, v16;
	v15 =	vmul.f32 v15, v10  }
0x118: {  	s22 =	simm.s32 $0x0  }
0x119: {  	s23 =	sand.u32 $0x70, s22;
	s22 =	sand.u32 $0x3C00, s22  }
0x11a: {  	v17 =	vld [tilespmem:s21+$0xC180];
	s21 =	sor.u32 s22, s23  }
0x11b: {  	v18 =	vld [tilespmem:s21+$0x200]  }
0x11c: {  	v19 =	vld [tilespmem:s21+$0x8200]  }
0x11d: {  	v20 =	vld [tilespmem:s21+$0x4200]  }
0x11e: {  	v14 =	vsub.f32 v14, v11  }
0x11f: {  	v10 =	vmul.f32 v16, v10;
	s30 =	simm.s32 $0x10;
	s31 =	simm.s32 $0x80;
	v13 =	vsub.f32 v13, v11  }
0x120: {  	v9 =	vadd.f32 v15, v9;
	s22 =	sand.u32 $0x70, s30;
	s23 =	sand.u32 $0x3C00, s31;
	v11 =	vld [tilespmem:s21+$0xC200];
	v14 =	vand.u32 $0x7FFFFFFF, v14  }
0x121: {  	v10 =	vadd.f32 v10, v12;
	s24 =	sor.u32 s23, s22;
	v12 =	vand.u32 $0x7FFFFFFF, v13;
	v13 =	vmul.f32 v14, v17  }
0x122: {  	v16 =	vld [tilespmem:s24+$0x8200];
	v14 =	vmul.f32 v12, v17;
	v15 =	vsub.f32 v19, v18;
	v17 =	vsub.f32 v20, v18  }
0x123: {  	v12 =	vld [tilespmem:s24+$0x200];
	v9 =	vadd.f32 v13, v9;
	v13 =	vimm.f32 $0.0e+00  }
0x124: {  	v10 =	vadd.f32 v14, v10;
	v14 =	vand.u32 $0x7FFFFFFF, v15;
	v19 =	vand.u32 $0x7FFFFFFF, v17;
	v17 =	vld [tilespmem:s24+$0x4200]  }
0x125: {  	s25 =	simm.s32 $0x20;
	s26 =	simm.s32 $0x100;
	v15 =	vimm.f32 $0.0e+00;
	v18 =	vmul.f32 v14, v11;
	v14 =	vimm.f32 $0.0e+00  }
.LBB2_26:
0x126: {  	s28 =	sand.u32 $0x70, s25;
	s29 =	sand.u32 $0x3C00, s26;
	v20 =	vmul.f32 v19, v11;
	v11 =	vld [tilespmem:s24+$0xC200];
	p1 =	sne.s32 s25, $0x7F0  }
.Ltmp12:
0x127: {  	s25 =	sadd.s32 $0x10, s25;
	s24 =	sor.u32 s29, s28;
	v14 =	vadd.f32 v18, v14;
	(pc) =	sbr.rel @p1 .LBB2_26-.Ltmp12, $4  }
0x128: {  	v19 =	vmov v12;
	v18 =	vsub.f32 v16, v12;
	v15 =	vadd.f32 v20, v15;
	v12 =	vld [tilespmem:s24+$0x200]  }
0x129: {  	v16 =	vld [tilespmem:s24+$0x8200];
	v19 =	vsub.f32 v17, v19  }
0x12a: {  	v17 =	vld [tilespmem:s24+$0x4200];
	v18 =	vand.u32 $0x7FFFFFFF, v18  }
0x12b: {  	s26 =	sadd.s32 $0x80, s26;
	v19 =	vand.u32 $0x7FFFFFFF, v19;
	v18 =	vmul.f32 v18, v11  }
0x12c: {  	v20 =	vld [tilespmem:s24+$0xC200]  }
0x12d: {  	v21 =	vld [tilespmem:s21+$0x280]  }
0x12e: {  	v22 =	vld [tilespmem:s21+$0x8280]  }
0x12f: {  	v23 =	vld [tilespmem:s21+$0x4280];
	v16 =	vsub.f32 v16, v12;
	v12 =	vsub.f32 v17, v12  }
0x130: {  	v11 =	vmul.f32 v19, v11  }
0x131: {  	v17 =	vadd.f32 v18, v14;
	v14 =	vld [tilespmem:s21+$0xC280];
	v12 =	vand.u32 $0x7FFFFFFF, v12  }
0x132: {  	v18 =	vadd.f32 v11, v15;
	s21 =	sor.u32 s23, s22;
	v11 =	vand.u32 $0x7FFFFFFF, v16;
	v12 =	vmul.f32 v12, v20  }
0x133: {  	v15 =	vld [tilespmem:s21+$0x280];
	v11 =	vmul.f32 v11, v20;
	v16 =	vsub.f32 v22, v21  }
0x134: {  	v19 =	vsub.f32 v23, v21;
	v12 =	vadd.f32 v12, v18;
	v18 =	vld [tilespmem:s21+$0x8280]  }
0x135: {  	v11 =	vadd.f32 v11, v17;
	v17 =	vand.u32 $0x7FFFFFFF, v16;
	v16 =	vld [tilespmem:s21+$0x4280]  }
0x136: {  	s22 =	simm.s32 $0x20;
	s23 =	simm.s32 $0x100;
	v20 =	vand.u32 $0x7FFFFFFF, v19;
	v19 =	vmul.f32 v17, v14;
	v17 =	vimm.f32 $0.0e+00  }
.LBB2_28:
0x137: {  	s24 =	sand.u32 $0x70, s22;
	s25 =	sand.u32 $0x3C00, s23;
	v21 =	vmul.f32 v20, v14;
	v14 =	vld [tilespmem:s21+$0xC280];
	p1 =	sne.s32 s22, $0x7F0  }
.Ltmp13:
0x138: {  	s22 =	sadd.s32 $0x10, s22;
	s21 =	sor.u32 s25, s24;
	v13 =	vadd.f32 v19, v13;
	(pc) =	sbr.rel @p1 .LBB2_28-.Ltmp13, $4  }
0x139: {  	v20 =	vmov v15;
	v19 =	vsub.f32 v18, v15;
	v17 =	vadd.f32 v21, v17;
	v15 =	vld [tilespmem:s21+$0x280]  }
0x13a: {  	v18 =	vld [tilespmem:s21+$0x8280];
	v20 =	vsub.f32 v16, v20  }
0x13b: {  	v16 =	vld [tilespmem:s21+$0x4280];
	v19 =	vand.u32 $0x7FFFFFFF, v19  }
0x13c: {  	s23 =	sadd.s32 $0x80, s23;
	v20 =	vand.u32 $0x7FFFFFFF, v20;
	v19 =	vmul.f32 v19, v14  }
0x13d: {  	s22 =	simm.s32 $0x0  }
0x13e: {  	s23 =	sand.u32 $0x70, s22;
	s24 =	sand.u32 $0x3C00, s22  }
0x13f: {  	v21 =	vld [tilespmem:s21+$0xC280];
	s23 =	sor.u32 s24, s23  }
0x140: {  	v22 =	vld [tilespmem:s23+$0x300]  }
0x141: {  	v23 =	vld [tilespmem:s23+$0x8300]  }
0x142: {  	v18 =	vsub.f32 v18, v15;
	v24 =	vld [tilespmem:s23+$0x4300]  }
0x143: {  	v14 =	vmul.f32 v20, v14;
	s29 =	simm.s32 $0x10;
	s21 =	simm.s32 $0x80;
	v15 =	vsub.f32 v16, v15  }
0x144: {  	v13 =	vadd.f32 v19, v13;
	s30 =	sand.u32 $0x70, s29;
	s31 =	sand.u32 $0x3C00, s21;
	v16 =	vld [tilespmem:s23+$0xC300];
	v18 =	vand.u32 $0x7FFFFFFF, v18  }
0x145: {  	v17 =	vadd.f32 v14, v17;
	s23 =	sor.u32 s31, s30;
	v14 =	vand.u32 $0x7FFFFFFF, v15;
	v15 =	vmul.f32 v18, v21  }
0x146: {  	v20 =	vld [tilespmem:s23+$0x8300];
	v19 =	vmul.f32 v14, v21;
	v21 =	vsub.f32 v23, v22  }
0x147: {  	v18 =	vld [tilespmem:s23+$0x300];
	v14 =	vimm.f32 $0.0e+00;
	v13 =	vadd.f32 v15, v13;
	v22 =	vsub.f32 v24, v22  }
0x148: {  	v15 =	vadd.f32 v19, v17;
	v19 =	vimm.f32 $0.0e+00;
	v17 =	vand.u32 $0x7FFFFFFF, v21;
	v21 =	vld [tilespmem:s23+$0x4300]  }
0x149: {  	s25 =	simm.s32 $0x100;
	s24 =	simm.s32 $0x20;
	v23 =	vand.u32 $0x7FFFFFFF, v22;
	v22 =	vmul.f32 v17, v16;
	v17 =	vimm.f32 $0.0e+00  }
.LBB2_30:
0x14a: {  	s26 =	sand.u32 $0x70, s24;
	s28 =	sand.u32 $0x3C00, s25;
	v24 =	vmul.f32 v23, v16;
	v16 =	vld [tilespmem:s23+$0xC300];
	p1 =	sne.s32 s24, $0x7F0  }
.Ltmp14:
0x14b: {  	s24 =	sadd.s32 $0x10, s24;
	s23 =	sor.u32 s28, s26;
	v19 =	vadd.f32 v22, v19;
	(pc) =	sbr.rel @p1 .LBB2_30-.Ltmp14, $4  }
0x14c: {  	v23 =	vmov v18;
	v22 =	vsub.f32 v20, v18;
	v17 =	vadd.f32 v24, v17;
	v18 =	vld [tilespmem:s23+$0x300]  }
0x14d: {  	v20 =	vld [tilespmem:s23+$0x8300];
	v23 =	vsub.f32 v21, v23  }
0x14e: {  	v21 =	vld [tilespmem:s23+$0x4300];
	v22 =	vand.u32 $0x7FFFFFFF, v22  }
0x14f: {  	s25 =	sadd.s32 $0x80, s25;
	v23 =	vand.u32 $0x7FFFFFFF, v23;
	v22 =	vmul.f32 v22, v16  }
0x150: {  	s22 =	sand.u32 $0x7, s22  }
0x151: {  	s22 =	sshll.u32 s22, $0x4  }
0x152: {  	s22 =	sadd.s32 $0x0, s22  }
0x153: {  	v24 =	vld [tilespmem:s23+$0xC300];
	s22 =	sor.u32 $0x380, s22  }
0x154: {  	v25 =	vld [tilespmem:s22+$0x0]  }
0x155: {  	s31 =	simm.s32 $0x1;
	v20 =	vsub.f32 v20, v18;
	v18 =	vsub.f32 v21, v18;
	v21 =	vld [tilespmem:s22+$0x8000]  }
0x156: {  	v16 =	vmul.f32 v23, v16;
	s23 =	sand.u32 $0x7, s31;
	v23 =	vld [tilespmem:s22+$0x4000]  }
0x157: {  	s23 =	sshll.u32 s23, $0x4;
	v20 =	vand.u32 $0x7FFFFFFF, v20;
	v18 =	vand.u32 $0x7FFFFFFF, v18  }
0x158: {  	v17 =	vadd.f32 v16, v17;
	s23 =	sadd.s32 $0x80, s23;
	v16 =	vmul.f32 v20, v24;
	v20 =	vld [tilespmem:s22+$0xC000];
	v18 =	vmul.f32 v18, v24  }
0x159: {  	v19 =	vadd.f32 v22, v19;
	s22 =	sor.u32 $0x380, s23  }
0x15a: {  	v17 =	vadd.f32 v18, v17;
	v18 =	vld [tilespmem:s22+$0x0];
	v22 =	vsub.f32 v21, v25  }
0x15b: {  	s24 =	simm.s32 $0x2;
	s23 =	simm.s32 $0x20;
	v16 =	vadd.f32 v16, v19;
	v19 =	vld [tilespmem:s22+$0x8000];
	v23 =	vsub.f32 v23, v25;
	v21 =	vimm.f32 $0.0e+00  }
.LBB2_32:
0x15c: {  	s25 =	sand.u32 $0x7, s24;
	v24 =	vld [tilespmem:s22+$0x4000];
	s21 =	sadd.s32 $0x80, s21;
	v22 =	vand.u32 $0x7FFFFFFF, v22;
	p1 =	sne.s32 s23, $0x7F0  }
.Ltmp15:
0x15d: {  	s23 =	sadd.s32 $0x10, s23;
	s25 =	sshll.u32 s25, $0x4;
	v23 =	vand.u32 $0x7FFFFFFF, v23;
	v22 =	vmul.f32 v22, v20;
	(pc) =	sbr.rel @p1 .LBB2_32-.Ltmp15, $4  }
0x15e: {  	s25 =	sadd.s32 s25, s21;
	v23 =	vmul.f32 v23, v20;
	v20 =	vld [tilespmem:s22+$0xC000]  }
0x15f: {  	s22 =	sor.u32 $0x380, s25;
	v14 =	vadd.f32 v22, v14;
	v25 =	vmov v18  }
0x160: {  	v18 =	vld [tilespmem:s22+$0x0];
	v22 =	vsub.f32 v19, v25;
	v21 =	vadd.f32 v23, v21  }
0x161: {  	s24 =	sadd.s32 $0x1, s24;
	v19 =	vld [tilespmem:s22+$0x8000];
	v23 =	vsub.f32 v24, v25  }
0x162: {  	v4 =	vmul.f32 v4, v0;
	_ =	sdelay $0x1  }
0x163: {  	v24 =	vld [tilespmem:s22+$0x4000];
	v46 =	vmul.f32 v6, v0;
	v2 =	vadd.f32 v4, v2;
	_ =	sdelay $0x1  }
0x164: {  	v48 =	vmul.f32 v8, v0;
	v3 =	vmul.f32 v3, v0;
	v2 =	vadd.f32 v46, v2  }
0x165: {  	v47 =	vand.u32 $0x7FFFFFFF, v22;
	v50 =	vld [tilespmem:s22+$0xC000];
	v51 =	vmul.f32 v10, v0;
	v54 =	vmul.f32 v12, v0  }
0x166: {  	v57 =	vmul.f32 v15, v0;
	v49 =	vand.u32 $0x7FFFFFFF, v23;
	v2 =	vadd.f32 v48, v2  }
0x167: {  	v1 =	vadd.f32 v3, v1;
	v3 =	vmul.f32 v5, v0;
	v52 =	vsub.f32 v24, v18  }
0x168: {  	v6 =	vmul.f32 v47, v20;
	v8 =	vmul.f32 v49, v20;
	v2 =	vadd.f32 v51, v2  }
0x169: {  	v1 =	vadd.f32 v3, v1;
	v3 =	vmul.f32 v7, v0;
	v55 =	vand.u32 $0x7FFFFFFF, v52  }
0x16a: {  	v53 =	vadd.f32 v8, v21;
	v56 =	vmul.f32 v55, v50;
	v2 =	vadd.f32 v54, v2  }
0x16b: {  	v58 =	vsub.f32 v19, v18;
	v1 =	vadd.f32 v3, v1;
	v3 =	vmul.f32 v9, v0  }
0x16c: {  	v59 =	vmul.f32 v17, v0;
	v5 =	vadd.f32 v56, v53;
	v2 =	vadd.f32 v57, v2  }
0x16d: {  	v6 =	vadd.f32 v6, v14;
	v1 =	vadd.f32 v3, v1;
	v3 =	vmul.f32 v11, v0  }
0x16e: {  	v60 =	vand.u32 $0x7FFFFFFF, v58;
	v61 =	vmul.f32 v5, v0;
	v2 =	vadd.f32 v59, v2  }
0x16f: {  	v62 =	vmul.f32 v60, v50;
	v1 =	vadd.f32 v3, v1;
	v3 =	vmul.f32 v13, v0  }
0x170: {  	v2 =	vadd.f32 v61, v2  }
0x171: {  	v63 =	vadd.f32 v62, v6;
	v1 =	vadd.f32 v3, v1;
	v3 =	vmul.f32 v16, v0  }
0x172: {  	[tilespmem:$0x10000] =	vst v2  }
0x173: {  	v1 =	vadd.f32 v3, v1;
	v2 =	vmul.f32 v63, v0;
	[hbm4b:s11+s2] =	stream.linear.scatter [tilespmem:s18], [sflag:$0x2], $0x80, $0x38;
	[tilespmem:$0x10080] =	vst v63  }
0x174: {  	_ =	swait.ge [sflag:s19], $0x80  }
0x175: {  	s20 =	sadd.s32 $0x1, s20;
	v1 =	vadd.f32 v2, v1;
	[sflag:s19] =	ssyncset.done $0x0  }
0x176: {  	p1 =	sne.s32 s20, s13;
	[sflag:s19] =	ssyncadd.s32 $0xFFFFFF80  }
.Ltmp16:
0x177: {  	[tilespmem:$0x10000] =	vst v1;
	(pc) =	sbr.rel @p1 .LBB2_1-.Ltmp16, $4  }
0x178: {  	[hbm4b:s12+s2] =	stream.linear.scatter [tilespmem:s18], [sflag:$0x2], $0x80, $0x38;
	[tilespmem:$0x10080] =	vst v63  }
0x179: {  	_ =	swait.ge [sflag:s19], $0x80  }
0x17a: {  	[sflag:s19] =	ssyncset.done $0x0  }
0x17b: {  	[sflag:s19] =	ssyncadd.s32 $0xFFFFFF80  }
0x17c: {  	_ =	sfence.sel $0x180000  }
0x17d: {  	[bflag:$0x0] =	sbarrier.arrive $0xFFFF  }
0x17e: {  	p0 =	sne.s32 s0, $0x0;
	_ =	strace $0x90000047  }
0x17f: {  	s0 =	sadd.s32 @!p0 $0x100000, s1;
	[bflag:$0x2] =	sbarrier.arrive $0xFFFF  }
0x180: {  	[sflag:s0] =	ssyncadd.tile.s32 @!p0 $0x1;
	_ =	shalt  }
.Lfunc_end2:
_tile_overlayer_lowered:
.L_overlay_start_2:
0x181: {  	(tag) =	ssettag $0x2  }
0x182: {  	s0 =	rddreg [dreg:$0x0];
	s2 =	stileid.u32  }
0x183: {  	s1 =	rddreg [dreg:$0x1];
	p0 =	sne.s32 s2, $0x0  }
0x184: {  	s3 =	rddreg [dreg:$0x2];
	[bflag:$0x3] =	sbarrier.arrive $0xFFFF;
	s2 =	simm.s32 @!p0 $0x1C02  }
0x185: {  	[timem:s3], [sflag:s2] =	dma.local @!p0 [hbm:s0], s1  }
0x186: {  	s0 =	simm.s32 @!p0 $0x2  }
0x187: {  	_ =	swait.ge @!p0 [sflag:s0], s1  }
0x188: {  	s1 =	ssub.s32 @!p0 $0x0, s1;
	[sflag:s0] =	ssyncset.done @!p0 $0x0  }
0x189: {  	[sflag:s0] =	ssyncadd.s32 @!p0 s1  }
0x18a: {  	[bflag:$0x3] =	sbarrier.arrive $0xFFFF  }
0x18b: {  	_ =	shalt  }

</sc_bundles>
